<compile_context>
chip_gen: v7x
topology: tpu7x:2x2x1
jax: 0.10.2.dev20260603
libtpu: 0.0.44.dev20260713+nightly
codegen_flags: <defaults>
</compile_context>

<pallas_src>
import functools

import jax
import jax.numpy as jnp
from jax import lax
from jax.experimental import pallas as pl
from jax.experimental.pallas import tpu as pltpu
from jax.experimental.pallas import tpu_sc as plsc

_NC = 2
_NS = 16
_NW = _NC * _NS
_R = 128
_NB = 3
_L = 16
_B_SC = 61440
_TC_BM = 2048


@functools.lru_cache(maxsize=None)
def _build_sc_call(B: int, Bs: int, P: int, F: int):
    rows_w = Bs // _NW
    n_chunks = rows_w // _R
    assert rows_w % _R == 0 and Bs % _NW == 0 and F % _L == 0 and P % _L == 0

    mesh = plsc.VectorSubcoreMesh(core_axis_name="c", subcore_axis_name="s")

    scratch = (
        [pltpu.VMEM((_R, F), jnp.float32) for _ in range(_NB)]
        + [pltpu.VMEM((_R, P), jnp.float32) for _ in range(_NB)]
        + [pltpu.VMEM((F,), jnp.int32),
           pltpu.VMEM((P,), jnp.float32)]
        + [pltpu.SemaphoreType.DMA for _ in range(2 * _NB + 1)]
    )

    @functools.partial(
        pl.kernel,
        out_type=jax.ShapeDtypeStruct((Bs, P), jnp.float32),
        mesh=mesh,
        compiler_params=pltpu.CompilerParams(
            use_tc_tiling_on_sc=True, needs_layout_passes=False),
        scratch_types=scratch,
    )
    def kfn(params_hbm, fi_hbm, dflt_hbm, out_hbm, *refs):
        ins = refs[:_NB]
        obs = refs[_NB:2 * _NB]
        fi_v, dflt_v = refs[2 * _NB:2 * _NB + 2]
        sin = refs[2 * _NB + 2:3 * _NB + 2]
        sout = refs[3 * _NB + 2:4 * _NB + 2]
        sx = refs[4 * _NB + 2]

        wid = lax.axis_index("s") * _NC + lax.axis_index("c")
        base_row = wid * rows_w

        pltpu.async_copy(fi_hbm, fi_v, sx).wait()
        pltpu.async_copy(dflt_hbm, dflt_v, sx).wait()

        fi = [fi_v[pl.ds(k * _L, _L)] for k in range(F // _L)]
        dv = [dflt_v[pl.ds(j * _L, _L)] for j in range(P // _L)]

        zero16 = jnp.zeros((_L,), jnp.int32)

        def init(ob):
            def body(r, carry):
                for j in range(P // _L):
                    ob[r, pl.ds(j * _L, _L)] = dv[j]
                return carry
            lax.fori_loop(0, _R, body, jnp.int32(0))
        for ob in obs:
            init(ob)

        def start_in(c, b):
            return pltpu.async_copy(
                params_hbm.at[pl.ds(base_row + c * _R, _R), :],
                ins[b], sin[b])

        def start_out(c, b):
            return pltpu.async_copy(
                obs[b],
                out_hbm.at[pl.ds(base_row + c * _R, _R), :],
                sout[b])

        def compute(b):
            inb = ins[b]
            ob = obs[b]
            def body(r, carry):
                rvec = carry + r
                for k in range(F // _L):
                    x = inb[r, pl.ds(k * _L, _L)]
                    plsc.store_scatter(ob, [rvec, fi[k]], x)
                return carry
            lax.fori_loop(0, _R, body, zero16)

        in_cp = [None] * _NB
        out_cp = [None] * _NB
        for j in range(min(_NB, n_chunks)):
            in_cp[j] = start_in(j, j)
        for c in range(n_chunks):
            b = c % _NB
            in_cp[b].wait()
            if out_cp[b] is not None:
                out_cp[b].wait()
            compute(b)
            out_cp[b] = start_out(c, b)
            if c + _NB < n_chunks:
                in_cp[b] = start_in(c + _NB, b)
        for b in range(_NB):
            if out_cp[b] is not None:
                out_cp[b].wait()

    return kfn


@functools.lru_cache(maxsize=None)
def _build_tc_call(B: int, Bs: int, P: int, F: int):
    nblk = (B - Bs) // _TC_BM
    blk0 = Bs // _TC_BM
    assert (B - Bs) % _TC_BM == 0 and Bs % _TC_BM == 0

    def body(p_ref, fi_ref, d_ref, o_ref):
        fi = fi_ref[...]
        smat = (lax.broadcasted_iota(jnp.int32, (F, P), 1)
                == fi[:, None]).astype(jnp.float32)
        dflt = d_ref[...]
        dfix = dflt * (1.0 - jnp.max(smat, axis=0))
        o_ref[...] = lax.dot_general(
            p_ref[...], smat,
            (((1,), (0,)), ((), ())),
            precision=lax.Precision.HIGHEST,
            preferred_element_type=jnp.float32,
        ) + dfix[None, :]

    return pl.pallas_call(
        body,
        grid=(nblk,),
        in_specs=[
            pl.BlockSpec((_TC_BM, F), lambda i: (i + blk0, 0)),
            pl.BlockSpec((F,), lambda i: (0,)),
            pl.BlockSpec((P,), lambda i: (0,)),
        ],
        out_specs=pl.BlockSpec((_TC_BM, P), lambda i: (i + blk0, 0)),
        out_shape=jax.ShapeDtypeStruct((B, P), jnp.float32),
    )


def kernel(params, params_default, free_inds):
    B, F = params.shape
    P = params_default.shape[0]
    fi = free_inds.astype(jnp.int32)
    kfn = _build_sc_call(B, _B_SC, P, F)
    out_sc = kfn(params, fi, params_default)
    tfn = _build_tc_call(B, _B_SC, P, F)
    out_tc = tfn(params, fi, params_default)
    return lax.dynamic_update_slice(out_tc, out_sc, (0, 0))

# --- scband reference (transcript-rebuilt; emitter-appended) ---
"""Pipeline reference for scband-galaxy-parameter-18073222382348 (READ-ONLY COPY).

The authoritative reference and input builder live on the scoring server;
editing this copy changes nothing except your own understanding.
"""

import jax, jax.numpy as jnp
import numpy as np

B = 131072
P = 128  # total number of named galaxy parameters (len(helper.header))


def setup_inputs(seed: int = 0) -> dict:
    key = jax.random.key(seed)
    # fixed params: every 4th index is fixed to 0.5 (via fixed_gp dict);
    # the remaining 96 indices are free and filled from the network output.
    fixed_mask = np.array([(i % 4 == 0) for i in range(P)])
    free_inds = np.array([i for i in range(P) if i % 4 != 0], dtype=np.int32)
    params_default = np.zeros(P, dtype=np.float32)
    params_default[fixed_mask] = 0.5
    params = jax.random.normal(key, (B, free_inds.shape[0]), dtype=jnp.float32)
    return {
        "params": params,
        "params_default": jnp.asarray(params_default),
        "free_inds": jnp.asarray(free_inds),
    }


def reference(params, params_default, free_inds):
    # ParameterSet.forward: tile defaults over batch, scatter free params
    # into the free columns (scatter-overwrite), then derive_full_params
    # which is identity for GalaxyParameter.
    b = params.shape[0]
    params_out = jnp.tile(params_default[None, :], (b, 1))
    params_out = params_out.at[:, free_inds].set(params)
    return params_out

if __name__ == "__main__":
    import jax
    _d = setup_inputs()
    print(jax.jit(kernel)(*tuple(_d.values())))

</pallas_src>

<mosaic_0001>
#map = affine_map<(d0, d1) -> (0, 0)>
#map1 = affine_map<(d0, d1) -> (0)>
module attributes {stable_mosaic.version = 14 : i64} {
  func.func @kfn(%arg0: i32, %arg1: i32, %arg2: memref<131072x96xf32, #tpu.memory_space<hbm>>, %arg3: memref<96xi32, #tpu.memory_space<hbm>>, %arg4: memref<128xf32, #tpu.memory_space<hbm>>, %arg5: memref<61440x128xf32, #tpu.memory_space<hbm>>, %arg6: memref<128x96xf32, #tpu.memory_space<vmem>>, %arg7: memref<128x96xf32, #tpu.memory_space<vmem>>, %arg8: memref<128x96xf32, #tpu.memory_space<vmem>>, %arg9: memref<128x128xf32, #tpu.memory_space<vmem>>, %arg10: memref<128x128xf32, #tpu.memory_space<vmem>>, %arg11: memref<128x128xf32, #tpu.memory_space<vmem>>, %arg12: memref<96xi32, #tpu.memory_space<vmem>>, %arg13: memref<128xf32, #tpu.memory_space<vmem>>, %arg14: memref<!tpu.dma_semaphore, #tpu.memory_space<semaphore_mem>>, %arg15: memref<!tpu.dma_semaphore, #tpu.memory_space<semaphore_mem>>, %arg16: memref<!tpu.dma_semaphore, #tpu.memory_space<semaphore_mem>>, %arg17: memref<!tpu.dma_semaphore, #tpu.memory_space<semaphore_mem>>, %arg18: memref<!tpu.dma_semaphore, #tpu.memory_space<semaphore_mem>>, %arg19: memref<!tpu.dma_semaphore, #tpu.memory_space<semaphore_mem>>, %arg20: memref<!tpu.dma_semaphore, #tpu.memory_space<semaphore_mem>>) attributes {dimension_semantics = [#tpu.dimension_semantics<core_parallel>, #tpu.dimension_semantics<subcore_parallel>], iteration_bounds = array<i64: 2, 16>, scalar_prefetch = 0 : i64, scratch_operands = 15 : i64, tpu.core_type = #tpu.core_type<sc_vector_subcore>, window_params = [{transform_indices = #map}, {transform_indices = #map1}, {transform_indices = #map1}, {transform_indices = #map}]} {
    %mul3A = arith.constant 2 : i32
    %mul3A_0 = arith.muli %arg1, %mul3A : i32
    %add3A = arith.addi %mul3A_0, %arg0 : i32
    %mul3A_1 = arith.constant 1920 : i32
    %mul3A_2 = arith.muli %add3A, %mul3A_1 : i32
    tpu.enqueue_dma source(%arg3 : memref<96xi32, #tpu.memory_space<hbm>>) target(%arg12 : memref<96xi32, #tpu.memory_space<vmem>>) target_semaphore(%arg20 : memref<!tpu.dma_semaphore, #tpu.memory_space<semaphore_mem>>)
    tpu.wait_dma2 semaphore(%arg20 : memref<!tpu.dma_semaphore, #tpu.memory_space<semaphore_mem>>) src(%arg3 : memref<96xi32, #tpu.memory_space<hbm>>) dst(%arg12 : memref<96xi32, #tpu.memory_space<vmem>>)
    tpu.enqueue_dma source(%arg4 : memref<128xf32, #tpu.memory_space<hbm>>) target(%arg13 : memref<128xf32, #tpu.memory_space<vmem>>) target_semaphore(%arg20 : memref<!tpu.dma_semaphore, #tpu.memory_space<semaphore_mem>>)
    tpu.wait_dma2 semaphore(%arg20 : memref<!tpu.dma_semaphore, #tpu.memory_space<semaphore_mem>>) src(%arg4 : memref<128xf32, #tpu.memory_space<hbm>>) dst(%arg13 : memref<128xf32, #tpu.memory_space<vmem>>)
    %get3A = arith.constant 0 : index
    %get3A_3 = tpu.vector_load %arg12[%get3A] {strides = array<i32>} : memref<96xi32, #tpu.memory_space<vmem>>, vector<16xi32>,
    %get3A_4 = arith.constant 16 : index
    %get3A_5 = tpu.vector_load %arg12[%get3A_4] {strides = array<i32>} : memref<96xi32, #tpu.memory_space<vmem>>, vector<16xi32>,
    %get3A_6 = arith.constant 32 : index
    %get3A_7 = tpu.vector_load %arg12[%get3A_6] {strides = array<i32>} : memref<96xi32, #tpu.memory_space<vmem>>, vector<16xi32>,
    %get3A_8 = arith.constant 48 : index
    %get3A_9 = tpu.vector_load %arg12[%get3A_8] {strides = array<i32>} : memref<96xi32, #tpu.memory_space<vmem>>, vector<16xi32>,
    %get3A_10 = arith.constant 64 : index
    %get3A_11 = tpu.vector_load %arg12[%get3A_10] {strides = array<i32>} : memref<96xi32, #tpu.memory_space<vmem>>, vector<16xi32>,
    %get3A_12 = arith.constant 80 : index
    %get3A_13 = tpu.vector_load %arg12[%get3A_12] {strides = array<i32>} : memref<96xi32, #tpu.memory_space<vmem>>, vector<16xi32>,
    %get3A_14 = arith.constant 0 : index
    %get3A_15 = tpu.vector_load %arg13[%get3A_14] {strides = array<i32>} : memref<128xf32, #tpu.memory_space<vmem>>, vector<16xf32>,
    %get3A_16 = arith.constant 16 : index
    %get3A_17 = tpu.vector_load %arg13[%get3A_16] {strides = array<i32>} : memref<128xf32, #tpu.memory_space<vmem>>, vector<16xf32>,
    %get3A_18 = arith.constant 32 : index
    %get3A_19 = tpu.vector_load %arg13[%get3A_18] {strides = array<i32>} : memref<128xf32, #tpu.memory_space<vmem>>, vector<16xf32>,
    %get3A_20 = arith.constant 48 : index
    %get3A_21 = tpu.vector_load %arg13[%get3A_20] {strides = array<i32>} : memref<128xf32, #tpu.memory_space<vmem>>, vector<16xf32>,
    %get3A_22 = arith.constant 64 : index
    %get3A_23 = tpu.vector_load %arg13[%get3A_22] {strides = array<i32>} : memref<128xf32, #tpu.memory_space<vmem>>, vector<16xf32>,
    %get3A_24 = arith.constant 80 : index
    %get3A_25 = tpu.vector_load %arg13[%get3A_24] {strides = array<i32>} : memref<128xf32, #tpu.memory_space<vmem>>, vector<16xf32>,
    %get3A_26 = arith.constant 96 : index
    %get3A_27 = tpu.vector_load %arg13[%get3A_26] {strides = array<i32>} : memref<128xf32, #tpu.memory_space<vmem>>, vector<16xf32>,
    %get3A_28 = arith.constant 112 : index
    %get3A_29 = tpu.vector_load %arg13[%get3A_28] {strides = array<i32>} : memref<128xf32, #tpu.memory_space<vmem>>, vector<16xf32>,
    %broadcast_in_dim3A = arith.constant 0 : i32
    %broadcast_in_dim3A_30 = vector.broadcast %broadcast_in_dim3A : i32 to vector<16xi32>
    %scan3A = arith.constant 0 : i32
    %scan3A_31 = arith.constant 0 : i32
    %scan3A_32 = arith.constant 128 : i32
    %scan3A_33 = arith.addi %scan3A_31, %scan3A_32 : i32
    %scan3A_34 = arith.constant 1 : i32
    scf.for %scan3A_421 = %scan3A_31 to %scan3A_33 step %scan3A_34  : i32 {
      %swap3A = arith.index_cast %scan3A_421 : i32 to index
      %swap3A_422 = arith.constant 0 : index
      %swap3A_423 = tpu.vector_load %arg9[%swap3A, %swap3A_422] {strides = array<i32>} : memref<128x128xf32, #tpu.memory_space<vmem>>, vector<16xf32>,
      tpu.vector_store %arg9[%swap3A, %swap3A_422], %get3A_15 {strides = array<i32>} : memref<128x128xf32, #tpu.memory_space<vmem>>, vector<16xf32>,
      %swap3A_424 = arith.index_cast %scan3A_421 : i32 to index
      %swap3A_425 = arith.constant 16 : index
      %swap3A_426 = tpu.vector_load %arg9[%swap3A_424, %swap3A_425] {strides = array<i32>} : memref<128x128xf32, #tpu.memory_space<vmem>>, vector<16xf32>,
      tpu.vector_store %arg9[%swap3A_424, %swap3A_425], %get3A_17 {strides = array<i32>} : memref<128x128xf32, #tpu.memory_space<vmem>>, vector<16xf32>,
      %swap3A_427 = arith.index_cast %scan3A_421 : i32 to index
      %swap3A_428 = arith.constant 32 : index
      %swap3A_429 = tpu.vector_load %arg9[%swap3A_427, %swap3A_428] {strides = array<i32>} : memref<128x128xf32, #tpu.memory_space<vmem>>, vector<16xf32>,
      tpu.vector_store %arg9[%swap3A_427, %swap3A_428], %get3A_19 {strides = array<i32>} : memref<128x128xf32, #tpu.memory_space<vmem>>, vector<16xf32>,
      %swap3A_430 = arith.index_cast %scan3A_421 : i32 to index
      %swap3A_431 = arith.constant 48 : index
      %swap3A_432 = tpu.vector_load %arg9[%swap3A_430, %swap3A_431] {strides = array<i32>} : memref<128x128xf32, #tpu.memory_space<vmem>>, vector<16xf32>,
      tpu.vector_store %arg9[%swap3A_430, %swap3A_431], %get3A_21 {strides = array<i32>} : memref<128x128xf32, #tpu.memory_space<vmem>>, vector<16xf32>,
      %swap3A_433 = arith.index_cast %scan3A_421 : i32 to index
      %swap3A_434 = arith.constant 64 : index
      %swap3A_435 = tpu.vector_load %arg9[%swap3A_433, %swap3A_434] {strides = array<i32>} : memref<128x128xf32, #tpu.memory_space<vmem>>, vector<16xf32>,
      tpu.vector_store %arg9[%swap3A_433, %swap3A_434], %get3A_23 {strides = array<i32>} : memref<128x128xf32, #tpu.memory_space<vmem>>, vector<16xf32>,
      %swap3A_436 = arith.index_cast %scan3A_421 : i32 to index
      %swap3A_437 = arith.constant 80 : index
      %swap3A_438 = tpu.vector_load %arg9[%swap3A_436, %swap3A_437] {strides = array<i32>} : memref<128x128xf32, #tpu.memory_space<vmem>>, vector<16xf32>,
      tpu.vector_store %arg9[%swap3A_436, %swap3A_437], %get3A_25 {strides = array<i32>} : memref<128x128xf32, #tpu.memory_space<vmem>>, vector<16xf32>,
      %swap3A_439 = arith.index_cast %scan3A_421 : i32 to index
      %swap3A_440 = arith.constant 96 : index
      %swap3A_441 = tpu.vector_load %arg9[%swap3A_439, %swap3A_440] {strides = array<i32>} : memref<128x128xf32, #tpu.memory_space<vmem>>, vector<16xf32>,
      tpu.vector_store %arg9[%swap3A_439, %swap3A_440], %get3A_27 {strides = array<i32>} : memref<128x128xf32, #tpu.memory_space<vmem>>, vector<16xf32>,
      %swap3A_442 = arith.index_cast %scan3A_421 : i32 to index
      %swap3A_443 = arith.constant 112 : index
      %swap3A_444 = tpu.vector_load %arg9[%swap3A_442, %swap3A_443] {strides = array<i32>} : memref<128x128xf32, #tpu.memory_space<vmem>>, vector<16xf32>,
      tpu.vector_store %arg9[%swap3A_442, %swap3A_443], %get3A_29 {strides = array<i32>} : memref<128x128xf32, #tpu.memory_space<vmem>>, vector<16xf32>,
    }
    %scan3A_35 = arith.constant 128 : i32
    %scan3A_36 = arith.constant 0 : i32
    %scan3A_37 = arith.constant 0 : i32
    %scan3A_38 = arith.constant 128 : i32
    %scan3A_39 = arith.addi %scan3A_37, %scan3A_38 : i32
    %scan3A_40 = arith.constant 1 : i32
    scf.for %scan3A_421 = %scan3A_37 to %scan3A_39 step %scan3A_40  : i32 {
      %swap3A = arith.index_cast %scan3A_421 : i32 to index
      %swap3A_422 = arith.constant 0 : index
      %swap3A_423 = tpu.vector_load %arg10[%swap3A, %swap3A_422] {strides = array<i32>} : memref<128x128xf32, #tpu.memory_space<vmem>>, vector<16xf32>,
      tpu.vector_store %arg10[%swap3A, %swap3A_422], %get3A_15 {strides = array<i32>} : memref<128x128xf32, #tpu.memory_space<vmem>>, vector<16xf32>,
      %swap3A_424 = arith.index_cast %scan3A_421 : i32 to index
      %swap3A_425 = arith.constant 16 : index
      %swap3A_426 = tpu.vector_load %arg10[%swap3A_424, %swap3A_425] {strides = array<i32>} : memref<128x128xf32, #tpu.memory_space<vmem>>, vector<16xf32>,
      tpu.vector_store %arg10[%swap3A_424, %swap3A_425], %get3A_17 {strides = array<i32>} : memref<128x128xf32, #tpu.memory_space<vmem>>, vector<16xf32>,
      %swap3A_427 = arith.index_cast %scan3A_421 : i32 to index
      %swap3A_428 = arith.constant 32 : index
      %swap3A_429 = tpu.vector_load %arg10[%swap3A_427, %swap3A_428] {strides = array<i32>} : memref<128x128xf32, #tpu.memory_space<vmem>>, vector<16xf32>,
      tpu.vector_store %arg10[%swap3A_427, %swap3A_428], %get3A_19 {strides = array<i32>} : memref<128x128xf32, #tpu.memory_space<vmem>>, vector<16xf32>,
      %swap3A_430 = arith.index_cast %scan3A_421 : i32 to index
      %swap3A_431 = arith.constant 48 : index
      %swap3A_432 = tpu.vector_load %arg10[%swap3A_430, %swap3A_431] {strides = array<i32>} : memref<128x128xf32, #tpu.memory_space<vmem>>, vector<16xf32>,
      tpu.vector_store %arg10[%swap3A_430, %swap3A_431], %get3A_21 {strides = array<i32>} : memref<128x128xf32, #tpu.memory_space<vmem>>, vector<16xf32>,
      %swap3A_433 = arith.index_cast %scan3A_421 : i32 to index
      %swap3A_434 = arith.constant 64 : index
      %swap3A_435 = tpu.vector_load %arg10[%swap3A_433, %swap3A_434] {strides = array<i32>} : memref<128x128xf32, #tpu.memory_space<vmem>>, vector<16xf32>,
      tpu.vector_store %arg10[%swap3A_433, %swap3A_434], %get3A_23 {strides = array<i32>} : memref<128x128xf32, #tpu.memory_space<vmem>>, vector<16xf32>,
      %swap3A_436 = arith.index_cast %scan3A_421 : i32 to index
      %swap3A_437 = arith.constant 80 : index
      %swap3A_438 = tpu.vector_load %arg10[%swap3A_436, %swap3A_437] {strides = array<i32>} : memref<128x128xf32, #tpu.memory_space<vmem>>, vector<16xf32>,
      tpu.vector_store %arg10[%swap3A_436, %swap3A_437], %get3A_25 {strides = array<i32>} : memref<128x128xf32, #tpu.memory_space<vmem>>, vector<16xf32>,
      %swap3A_439 = arith.index_cast %scan3A_421 : i32 to index
      %swap3A_440 = arith.constant 96 : index
      %swap3A_441 = tpu.vector_load %arg10[%swap3A_439, %swap3A_440] {strides = array<i32>} : memref<128x128xf32, #tpu.memory_space<vmem>>, vector<16xf32>,
      tpu.vector_store %arg10[%swap3A_439, %swap3A_440], %get3A_27 {strides = array<i32>} : memref<128x128xf32, #tpu.memory_space<vmem>>, vector<16xf32>,
      %swap3A_442 = arith.index_cast %scan3A_421 : i32 to index
      %swap3A_443 = arith.constant 112 : index
      %swap3A_444 = tpu.vector_load %arg10[%swap3A_442, %swap3A_443] {strides = array<i32>} : memref<128x128xf32, #tpu.memory_space<vmem>>, vector<16xf32>,
      tpu.vector_store %arg10[%swap3A_442, %swap3A_443], %get3A_29 {strides = array<i32>} : memref<128x128xf32, #tpu.memory_space<vmem>>, vector<16xf32>,
    }
    %scan3A_41 = arith.constant 128 : i32
    %scan3A_42 = arith.constant 0 : i32
    %scan3A_43 = arith.constant 0 : i32
    %scan3A_44 = arith.constant 128 : i32
    %scan3A_45 = arith.addi %scan3A_43, %scan3A_44 : i32
    %scan3A_46 = arith.constant 1 : i32
    scf.for %scan3A_421 = %scan3A_43 to %scan3A_45 step %scan3A_46  : i32 {
      %swap3A = arith.index_cast %scan3A_421 : i32 to index
      %swap3A_422 = arith.constant 0 : index
      %swap3A_423 = tpu.vector_load %arg11[%swap3A, %swap3A_422] {strides = array<i32>} : memref<128x128xf32, #tpu.memory_space<vmem>>, vector<16xf32>,
      tpu.vector_store %arg11[%swap3A, %swap3A_422], %get3A_15 {strides = array<i32>} : memref<128x128xf32, #tpu.memory_space<vmem>>, vector<16xf32>,
      %swap3A_424 = arith.index_cast %scan3A_421 : i32 to index
      %swap3A_425 = arith.constant 16 : index
      %swap3A_426 = tpu.vector_load %arg11[%swap3A_424, %swap3A_425] {strides = array<i32>} : memref<128x128xf32, #tpu.memory_space<vmem>>, vector<16xf32>,
      tpu.vector_store %arg11[%swap3A_424, %swap3A_425], %get3A_17 {strides = array<i32>} : memref<128x128xf32, #tpu.memory_space<vmem>>, vector<16xf32>,
      %swap3A_427 = arith.index_cast %scan3A_421 : i32 to index
      %swap3A_428 = arith.constant 32 : index
      %swap3A_429 = tpu.vector_load %arg11[%swap3A_427, %swap3A_428] {strides = array<i32>} : memref<128x128xf32, #tpu.memory_space<vmem>>, vector<16xf32>,
      tpu.vector_store %arg11[%swap3A_427, %swap3A_428], %get3A_19 {strides = array<i32>} : memref<128x128xf32, #tpu.memory_space<vmem>>, vector<16xf32>,
      %swap3A_430 = arith.index_cast %scan3A_421 : i32 to index
      %swap3A_431 = arith.constant 48 : index
      %swap3A_432 = tpu.vector_load %arg11[%swap3A_430, %swap3A_431] {strides = array<i32>} : memref<128x128xf32, #tpu.memory_space<vmem>>, vector<16xf32>,
      tpu.vector_store %arg11[%swap3A_430, %swap3A_431], %get3A_21 {strides = array<i32>} : memref<128x128xf32, #tpu.memory_space<vmem>>, vector<16xf32>,
      %swap3A_433 = arith.index_cast %scan3A_421 : i32 to index
      %swap3A_434 = arith.constant 64 : index
      %swap3A_435 = tpu.vector_load %arg11[%swap3A_433, %swap3A_434] {strides = array<i32>} : memref<128x128xf32, #tpu.memory_space<vmem>>, vector<16xf32>,
      tpu.vector_store %arg11[%swap3A_433, %swap3A_434], %get3A_23 {strides = array<i32>} : memref<128x128xf32, #tpu.memory_space<vmem>>, vector<16xf32>,
      %swap3A_436 = arith.index_cast %scan3A_421 : i32 to index
      %swap3A_437 = arith.constant 80 : index
      %swap3A_438 = tpu.vector_load %arg11[%swap3A_436, %swap3A_437] {strides = array<i32>} : memref<128x128xf32, #tpu.memory_space<vmem>>, vector<16xf32>,
      tpu.vector_store %arg11[%swap3A_436, %swap3A_437], %get3A_25 {strides = array<i32>} : memref<128x128xf32, #tpu.memory_space<vmem>>, vector<16xf32>,
      %swap3A_439 = arith.index_cast %scan3A_421 : i32 to index
      %swap3A_440 = arith.constant 96 : index
      %swap3A_441 = tpu.vector_load %arg11[%swap3A_439, %swap3A_440] {strides = array<i32>} : memref<128x128xf32, #tpu.memory_space<vmem>>, vector<16xf32>,
      tpu.vector_store %arg11[%swap3A_439, %swap3A_440], %get3A_27 {strides = array<i32>} : memref<128x128xf32, #tpu.memory_space<vmem>>, vector<16xf32>,
      %swap3A_442 = arith.index_cast %scan3A_421 : i32 to index
      %swap3A_443 = arith.constant 112 : index
      %swap3A_444 = tpu.vector_load %arg11[%swap3A_442, %swap3A_443] {strides = array<i32>} : memref<128x128xf32, #tpu.memory_space<vmem>>, vector<16xf32>,
      tpu.vector_store %arg11[%swap3A_442, %swap3A_443], %get3A_29 {strides = array<i32>} : memref<128x128xf32, #tpu.memory_space<vmem>>, vector<16xf32>,
    }
    %scan3A_47 = arith.constant 128 : i32
    %add3A_48 = arith.constant 0 : i32
    %add3A_49 = arith.addi %mul3A_2, %add3A_48 : i32
    %dma_start3A = arith.constant 0 : i32
    %dma_start3A_50 = tpu.memref_slice %arg2[%add3A_49, %dma_start3A] : memref<131072x96xf32, #tpu.memory_space<hbm>> -> memref<128x96xf32, #tpu.memory_space<hbm>>
    %dma_start3A_51 = arith.constant 0 : i32
    %dma_start3A_52 = tpu.memref_slice %arg2[%add3A_49, %dma_start3A_51] : memref<131072x96xf32, #tpu.memory_space<hbm>> -> memref<128x96xf32, #tpu.memory_space<hbm>>
    tpu.enqueue_dma source(%dma_start3A_52 : memref<128x96xf32, #tpu.memory_space<hbm>>) target(%arg6 : memref<128x96xf32, #tpu.memory_space<vmem>>) target_semaphore(%arg14 : memref<!tpu.dma_semaphore, #tpu.memory_space<semaphore_mem>>)
    %add3A_53 = arith.constant 128 : i32
    %add3A_54 = arith.addi %mul3A_2, %add3A_53 : i32
    %dma_start3A_55 = arith.constant 0 : i32
    %dma_start3A_56 = tpu.memref_slice %arg2[%add3A_54, %dma_start3A_55] : memref<131072x96xf32, #tpu.memory_space<hbm>> -> memref<128x96xf32, #tpu.memory_space<hbm>>
    %dma_start3A_57 = arith.constant 0 : i32
    %dma_start3A_58 = tpu.memref_slice %arg2[%add3A_54, %dma_start3A_57] : memref<131072x96xf32, #tpu.memory_space<hbm>> -> memref<128x96xf32, #tpu.memory_space<hbm>>
    tpu.enqueue_dma source(%dma_start3A_58 : memref<128x96xf32, #tpu.memory_space<hbm>>) target(%arg7 : memref<128x96xf32, #tpu.memory_space<vmem>>) target_semaphore(%arg15 : memref<!tpu.dma_semaphore, #tpu.memory_space<semaphore_mem>>)
    %add3A_59 = arith.constant 256 : i32
    %add3A_60 = arith.addi %mul3A_2, %add3A_59 : i32
    %dma_start3A_61 = arith.constant 0 : i32
    %dma_start3A_62 = tpu.memref_slice %arg2[%add3A_60, %dma_start3A_61] : memref<131072x96xf32, #tpu.memory_space<hbm>> -> memref<128x96xf32, #tpu.memory_space<hbm>>
    %dma_start3A_63 = arith.constant 0 : i32
    %dma_start3A_64 = tpu.memref_slice %arg2[%add3A_60, %dma_start3A_63] : memref<131072x96xf32, #tpu.memory_space<hbm>> -> memref<128x96xf32, #tpu.memory_space<hbm>>
    tpu.enqueue_dma source(%dma_start3A_64 : memref<128x96xf32, #tpu.memory_space<hbm>>) target(%arg8 : memref<128x96xf32, #tpu.memory_space<vmem>>) target_semaphore(%arg16 : memref<!tpu.dma_semaphore, #tpu.memory_space<semaphore_mem>>)
    %dma_wait3A = arith.constant 0 : i32
    %dma_wait3A_65 = tpu.memref_slice %arg2[%add3A_49, %dma_wait3A] : memref<131072x96xf32, #tpu.memory_space<hbm>> -> memref<128x96xf32, #tpu.memory_space<hbm>>
    %dma_wait3A_66 = arith.constant 0 : i32
    %dma_wait3A_67 = tpu.memref_slice %arg2[%add3A_49, %dma_wait3A_66] : memref<131072x96xf32, #tpu.memory_space<hbm>> -> memref<128x96xf32, #tpu.memory_space<hbm>>
    tpu.wait_dma2 semaphore(%arg14 : memref<!tpu.dma_semaphore, #tpu.memory_space<semaphore_mem>>) src(%dma_wait3A_67 : memref<128x96xf32, #tpu.memory_space<hbm>>) dst(%arg6 : memref<128x96xf32, #tpu.memory_space<vmem>>)
    %scan3A_68 = arith.constant 0 : i32
    %scan3A_69 = arith.constant 128 : i32
    %scan3A_70 = arith.addi %scan3A_68, %scan3A_69 : i32
    %scan3A_71 = arith.constant 1 : i32
    scf.for %scan3A_421 = %scan3A_68 to %scan3A_70 step %scan3A_71  : i32 {
      %add3A_422 = vector.broadcast %scan3A_421 : i32 to vector<16xi32>
      %add3A_423 = arith.addi %broadcast_in_dim3A_30, %add3A_422 : vector<16xi32>
      %get3A_424 = arith.index_cast %scan3A_421 : i32 to index
      %get3A_425 = arith.constant 0 : index
      %get3A_426 = tpu.vector_load %arg6[%get3A_424, %get3A_425] {strides = array<i32>} : memref<128x96xf32, #tpu.memory_space<vmem>>, vector<16xf32>,
      tpu.vector_store_idx %arg9[%add3A_423, %get3A_3], %get3A_426 : memref<128x128xf32, #tpu.memory_space<vmem>>[vector<16xi32>, vector<16xi32>], vector<16xf32>,
      %get3A_427 = arith.index_cast %scan3A_421 : i32 to index
      %get3A_428 = arith.constant 16 : index
      %get3A_429 = tpu.vector_load %arg6[%get3A_427, %get3A_428] {strides = array<i32>} : memref<128x96xf32, #tpu.memory_space<vmem>>, vector<16xf32>,
      tpu.vector_store_idx %arg9[%add3A_423, %get3A_5], %get3A_429 : memref<128x128xf32, #tpu.memory_space<vmem>>[vector<16xi32>, vector<16xi32>], vector<16xf32>,
      %get3A_430 = arith.index_cast %scan3A_421 : i32 to index
      %get3A_431 = arith.constant 32 : index
      %get3A_432 = tpu.vector_load %arg6[%get3A_430, %get3A_431] {strides = array<i32>} : memref<128x96xf32, #tpu.memory_space<vmem>>, vector<16xf32>,
      tpu.vector_store_idx %arg9[%add3A_423, %get3A_7], %get3A_432 : memref<128x128xf32, #tpu.memory_space<vmem>>[vector<16xi32>, vector<16xi32>], vector<16xf32>,
      %get3A_433 = arith.index_cast %scan3A_421 : i32 to index
      %get3A_434 = arith.constant 48 : index
      %get3A_435 = tpu.vector_load %arg6[%get3A_433, %get3A_434] {strides = array<i32>} : memref<128x96xf32, #tpu.memory_space<vmem>>, vector<16xf32>,
      tpu.vector_store_idx %arg9[%add3A_423, %get3A_9], %get3A_435 : memref<128x128xf32, #tpu.memory_space<vmem>>[vector<16xi32>, vector<16xi32>], vector<16xf32>,
      %get3A_436 = arith.index_cast %scan3A_421 : i32 to index
      %get3A_437 = arith.constant 64 : index
      %get3A_438 = tpu.vector_load %arg6[%get3A_436, %get3A_437] {strides = array<i32>} : memref<128x96xf32, #tpu.memory_space<vmem>>, vector<16xf32>,
      tpu.vector_store_idx %arg9[%add3A_423, %get3A_11], %get3A_438 : memref<128x128xf32, #tpu.memory_space<vmem>>[vector<16xi32>, vector<16xi32>], vector<16xf32>,
      %get3A_439 = arith.index_cast %scan3A_421 : i32 to index
      %get3A_440 = arith.constant 80 : index
      %get3A_441 = tpu.vector_load %arg6[%get3A_439, %get3A_440] {strides = array<i32>} : memref<128x96xf32, #tpu.memory_space<vmem>>, vector<16xf32>,
      tpu.vector_store_idx %arg9[%add3A_423, %get3A_13], %get3A_441 : memref<128x128xf32, #tpu.memory_space<vmem>>[vector<16xi32>, vector<16xi32>], vector<16xf32>,
    }
    %scan3A_72 = arith.constant 128 : i32
    %add3A_73 = arith.constant 0 : i32
    %add3A_74 = arith.addi %mul3A_2, %add3A_73 : i32
    %dma_start3A_75 = arith.constant 0 : i32
    %dma_start3A_76 = tpu.memref_slice %arg5[%add3A_74, %dma_start3A_75] : memref<61440x128xf32, #tpu.memory_space<hbm>> -> memref<128x128xf32, #tpu.memory_space<hbm>>
    %dma_start3A_77 = arith.constant 0 : i32
    %dma_start3A_78 = tpu.memref_slice %arg5[%add3A_74, %dma_start3A_77] : memref<61440x128xf32, #tpu.memory_space<hbm>> -> memref<128x128xf32, #tpu.memory_space<hbm>>
    tpu.enqueue_dma source(%arg9 : memref<128x128xf32, #tpu.memory_space<vmem>>) target(%dma_start3A_78 : memref<128x128xf32, #tpu.memory_space<hbm>>) target_semaphore(%arg17 : memref<!tpu.dma_semaphore, #tpu.memory_space<semaphore_mem>>)
    %add3A_79 = arith.constant 384 : i32
    %add3A_80 = arith.addi %mul3A_2, %add3A_79 : i32
    %dma_start3A_81 = arith.constant 0 : i32
    %dma_start3A_82 = tpu.memref_slice %arg2[%add3A_80, %dma_start3A_81] : memref<131072x96xf32, #tpu.memory_space<hbm>> -> memref<128x96xf32, #tpu.memory_space<hbm>>
    %dma_start3A_83 = arith.constant 0 : i32
    %dma_start3A_84 = tpu.memref_slice %arg2[%add3A_80, %dma_start3A_83] : memref<131072x96xf32, #tpu.memory_space<hbm>> -> memref<128x96xf32, #tpu.memory_space<hbm>>
    tpu.enqueue_dma source(%dma_start3A_84 : memref<128x96xf32, #tpu.memory_space<hbm>>) target(%arg6 : memref<128x96xf32, #tpu.memory_space<vmem>>) target_semaphore(%arg14 : memref<!tpu.dma_semaphore, #tpu.memory_space<semaphore_mem>>)
    %dma_wait3A_85 = arith.constant 0 : i32
    %dma_wait3A_86 = tpu.memref_slice %arg2[%add3A_54, %dma_wait3A_85] : memref<131072x96xf32, #tpu.memory_space<hbm>> -> memref<128x96xf32, #tpu.memory_space<hbm>>
    %dma_wait3A_87 = arith.constant 0 : i32
    %dma_wait3A_88 = tpu.memref_slice %arg2[%add3A_54, %dma_wait3A_87] : memref<131072x96xf32, #tpu.memory_space<hbm>> -> memref<128x96xf32, #tpu.memory_space<hbm>>
    tpu.wait_dma2 semaphore(%arg15 : memref<!tpu.dma_semaphore, #tpu.memory_space<semaphore_mem>>) src(%dma_wait3A_88 : memref<128x96xf32, #tpu.memory_space<hbm>>) dst(%arg7 : memref<128x96xf32, #tpu.memory_space<vmem>>)
    %scan3A_89 = arith.constant 0 : i32
    %scan3A_90 = arith.constant 128 : i32
    %scan3A_91 = arith.addi %scan3A_89, %scan3A_90 : i32
    %scan3A_92 = arith.constant 1 : i32
    scf.for %scan3A_421 = %scan3A_89 to %scan3A_91 step %scan3A_92  : i32 {
      %add3A_422 = vector.broadcast %scan3A_421 : i32 to vector<16xi32>
      %add3A_423 = arith.addi %broadcast_in_dim3A_30, %add3A_422 : vector<16xi32>
      %get3A_424 = arith.index_cast %scan3A_421 : i32 to index
      %get3A_425 = arith.constant 0 : index
      %get3A_426 = tpu.vector_load %arg7[%get3A_424, %get3A_425] {strides = array<i32>} : memref<128x96xf32, #tpu.memory_space<vmem>>, vector<16xf32>,
      tpu.vector_store_idx %arg10[%add3A_423, %get3A_3], %get3A_426 : memref<128x128xf32, #tpu.memory_space<vmem>>[vector<16xi32>, vector<16xi32>], vector<16xf32>,
      %get3A_427 = arith.index_cast %scan3A_421 : i32 to index
      %get3A_428 = arith.constant 16 : index
      %get3A_429 = tpu.vector_load %arg7[%get3A_427, %get3A_428] {strides = array<i32>} : memref<128x96xf32, #tpu.memory_space<vmem>>, vector<16xf32>,
      tpu.vector_store_idx %arg10[%add3A_423, %get3A_5], %get3A_429 : memref<128x128xf32, #tpu.memory_space<vmem>>[vector<16xi32>, vector<16xi32>], vector<16xf32>,
      %get3A_430 = arith.index_cast %scan3A_421 : i32 to index
      %get3A_431 = arith.constant 32 : index
      %get3A_432 = tpu.vector_load %arg7[%get3A_430, %get3A_431] {strides = array<i32>} : memref<128x96xf32, #tpu.memory_space<vmem>>, vector<16xf32>,
      tpu.vector_store_idx %arg10[%add3A_423, %get3A_7], %get3A_432 : memref<128x128xf32, #tpu.memory_space<vmem>>[vector<16xi32>, vector<16xi32>], vector<16xf32>,
      %get3A_433 = arith.index_cast %scan3A_421 : i32 to index
      %get3A_434 = arith.constant 48 : index
      %get3A_435 = tpu.vector_load %arg7[%get3A_433, %get3A_434] {strides = array<i32>} : memref<128x96xf32, #tpu.memory_space<vmem>>, vector<16xf32>,
      tpu.vector_store_idx %arg10[%add3A_423, %get3A_9], %get3A_435 : memref<128x128xf32, #tpu.memory_space<vmem>>[vector<16xi32>, vector<16xi32>], vector<16xf32>,
      %get3A_436 = arith.index_cast %scan3A_421 : i32 to index
      %get3A_437 = arith.constant 64 : index
      %get3A_438 = tpu.vector_load %arg7[%get3A_436, %get3A_437] {strides = array<i32>} : memref<128x96xf32, #tpu.memory_space<vmem>>, vector<16xf32>,
      tpu.vector_store_idx %arg10[%add3A_423, %get3A_11], %get3A_438 : memref<128x128xf32, #tpu.memory_space<vmem>>[vector<16xi32>, vector<16xi32>], vector<16xf32>,
      %get3A_439 = arith.index_cast %scan3A_421 : i32 to index
      %get3A_440 = arith.constant 80 : index
      %get3A_441 = tpu.vector_load %arg7[%get3A_439, %get3A_440] {strides = array<i32>} : memref<128x96xf32, #tpu.memory_space<vmem>>, vector<16xf32>,
      tpu.vector_store_idx %arg10[%add3A_423, %get3A_13], %get3A_441 : memref<128x128xf32, #tpu.memory_space<vmem>>[vector<16xi32>, vector<16xi32>], vector<16xf32>,
    }
    %scan3A_93 = arith.constant 128 : i32
    %add3A_94 = arith.constant 128 : i32
    %add3A_95 = arith.addi %mul3A_2, %add3A_94 : i32
    %dma_start3A_96 = arith.constant 0 : i32
    %dma_start3A_97 = tpu.memref_slice %arg5[%add3A_95, %dma_start3A_96] : memref<61440x128xf32, #tpu.memory_space<hbm>> -> memref<128x128xf32, #tpu.memory_space<hbm>>
    %dma_start3A_98 = arith.constant 0 : i32
    %dma_start3A_99 = tpu.memref_slice %arg5[%add3A_95, %dma_start3A_98] : memref<61440x128xf32, #tpu.memory_space<hbm>> -> memref<128x128xf32, #tpu.memory_space<hbm>>
    tpu.enqueue_dma source(%arg10 : memref<128x128xf32, #tpu.memory_space<vmem>>) target(%dma_start3A_99 : memref<128x128xf32, #tpu.memory_space<hbm>>) target_semaphore(%arg18 : memref<!tpu.dma_semaphore, #tpu.memory_space<semaphore_mem>>)
    %add3A_100 = arith.constant 512 : i32
    %add3A_101 = arith.addi %mul3A_2, %add3A_100 : i32
    %dma_start3A_102 = arith.constant 0 : i32
    %dma_start3A_103 = tpu.memref_slice %arg2[%add3A_101, %dma_start3A_102] : memref<131072x96xf32, #tpu.memory_space<hbm>> -> memref<128x96xf32, #tpu.memory_space<hbm>>
    %dma_start3A_104 = arith.constant 0 : i32
    %dma_start3A_105 = tpu.memref_slice %arg2[%add3A_101, %dma_start3A_104] : memref<131072x96xf32, #tpu.memory_space<hbm>> -> memref<128x96xf32, #tpu.memory_space<hbm>>
    tpu.enqueue_dma source(%dma_start3A_105 : memref<128x96xf32, #tpu.memory_space<hbm>>) target(%arg7 : memref<128x96xf32, #tpu.memory_space<vmem>>) target_semaphore(%arg15 : memref<!tpu.dma_semaphore, #tpu.memory_space<semaphore_mem>>)
    %dma_wait3A_106 = arith.constant 0 : i32
    %dma_wait3A_107 = tpu.memref_slice %arg2[%add3A_60, %dma_wait3A_106] : memref<131072x96xf32, #tpu.memory_space<hbm>> -> memref<128x96xf32, #tpu.memory_space<hbm>>
    %dma_wait3A_108 = arith.constant 0 : i32
    %dma_wait3A_109 = tpu.memref_slice %arg2[%add3A_60, %dma_wait3A_108] : memref<131072x96xf32, #tpu.memory_space<hbm>> -> memref<128x96xf32, #tpu.memory_space<hbm>>
    tpu.wait_dma2 semaphore(%arg16 : memref<!tpu.dma_semaphore, #tpu.memory_space<semaphore_mem>>) src(%dma_wait3A_109 : memref<128x96xf32, #tpu.memory_space<hbm>>) dst(%arg8 : memref<128x96xf32, #tpu.memory_space<vmem>>)
    %scan3A_110 = arith.constant 0 : i32
    %scan3A_111 = arith.constant 128 : i32
    %scan3A_112 = arith.addi %scan3A_110, %scan3A_111 : i32
    %scan3A_113 = arith.constant 1 : i32
    scf.for %scan3A_421 = %scan3A_110 to %scan3A_112 step %scan3A_113  : i32 {
      %add3A_422 = vector.broadcast %scan3A_421 : i32 to vector<16xi32>
      %add3A_423 = arith.addi %broadcast_in_dim3A_30, %add3A_422 : vector<16xi32>
      %get3A_424 = arith.index_cast %scan3A_421 : i32 to index
      %get3A_425 = arith.constant 0 : index
      %get3A_426 = tpu.vector_load %arg8[%get3A_424, %get3A_425] {strides = array<i32>} : memref<128x96xf32, #tpu.memory_space<vmem>>, vector<16xf32>,
      tpu.vector_store_idx %arg11[%add3A_423, %get3A_3], %get3A_426 : memref<128x128xf32, #tpu.memory_space<vmem>>[vector<16xi32>, vector<16xi32>], vector<16xf32>,
      %get3A_427 = arith.index_cast %scan3A_421 : i32 to index
      %get3A_428 = arith.constant 16 : index
      %get3A_429 = tpu.vector_load %arg8[%get3A_427, %get3A_428] {strides = array<i32>} : memref<128x96xf32, #tpu.memory_space<vmem>>, vector<16xf32>,
      tpu.vector_store_idx %arg11[%add3A_423, %get3A_5], %get3A_429 : memref<128x128xf32, #tpu.memory_space<vmem>>[vector<16xi32>, vector<16xi32>], vector<16xf32>,
      %get3A_430 = arith.index_cast %scan3A_421 : i32 to index
      %get3A_431 = arith.constant 32 : index
      %get3A_432 = tpu.vector_load %arg8[%get3A_430, %get3A_431] {strides = array<i32>} : memref<128x96xf32, #tpu.memory_space<vmem>>, vector<16xf32>,
      tpu.vector_store_idx %arg11[%add3A_423, %get3A_7], %get3A_432 : memref<128x128xf32, #tpu.memory_space<vmem>>[vector<16xi32>, vector<16xi32>], vector<16xf32>,
      %get3A_433 = arith.index_cast %scan3A_421 : i32 to index
      %get3A_434 = arith.constant 48 : index
      %get3A_435 = tpu.vector_load %arg8[%get3A_433, %get3A_434] {strides = array<i32>} : memref<128x96xf32, #tpu.memory_space<vmem>>, vector<16xf32>,
      tpu.vector_store_idx %arg11[%add3A_423, %get3A_9], %get3A_435 : memref<128x128xf32, #tpu.memory_space<vmem>>[vector<16xi32>, vector<16xi32>], vector<16xf32>,
      %get3A_436 = arith.index_cast %scan3A_421 : i32 to index
      %get3A_437 = arith.constant 64 : index
      %get3A_438 = tpu.vector_load %arg8[%get3A_436, %get3A_437] {strides = array<i32>} : memref<128x96xf32, #tpu.memory_space<vmem>>, vector<16xf32>,
      tpu.vector_store_idx %arg11[%add3A_423, %get3A_11], %get3A_438 : memref<128x128xf32, #tpu.memory_space<vmem>>[vector<16xi32>, vector<16xi32>], vector<16xf32>,
      %get3A_439 = arith.index_cast %scan3A_421 : i32 to index
      %get3A_440 = arith.constant 80 : index
      %get3A_441 = tpu.vector_load %arg8[%get3A_439, %get3A_440] {strides = array<i32>} : memref<128x96xf32, #tpu.memory_space<vmem>>, vector<16xf32>,
      tpu.vector_store_idx %arg11[%add3A_423, %get3A_13], %get3A_441 : memref<128x128xf32, #tpu.memory_space<vmem>>[vector<16xi32>, vector<16xi32>], vector<16xf32>,
    }
    %scan3A_114 = arith.constant 128 : i32
    %add3A_115 = arith.constant 256 : i32
    %add3A_116 = arith.addi %mul3A_2, %add3A_115 : i32
    %dma_start3A_117 = arith.constant 0 : i32
    %dma_start3A_118 = tpu.memref_slice %arg5[%add3A_116, %dma_start3A_117] : memref<61440x128xf32, #tpu.memory_space<hbm>> -> memref<128x128xf32, #tpu.memory_space<hbm>>
    %dma_start3A_119 = arith.constant 0 : i32
    %dma_start3A_120 = tpu.memref_slice %arg5[%add3A_116, %dma_start3A_119] : memref<61440x128xf32, #tpu.memory_space<hbm>> -> memref<128x128xf32, #tpu.memory_space<hbm>>
    tpu.enqueue_dma source(%arg11 : memref<128x128xf32, #tpu.memory_space<vmem>>) target(%dma_start3A_120 : memref<128x128xf32, #tpu.memory_space<hbm>>) target_semaphore(%arg19 : memref<!tpu.dma_semaphore, #tpu.memory_space<semaphore_mem>>)
    %add3A_121 = arith.constant 640 : i32
    %add3A_122 = arith.addi %mul3A_2, %add3A_121 : i32
    %dma_start3A_123 = arith.constant 0 : i32
    %dma_start3A_124 = tpu.memref_slice %arg2[%add3A_122, %dma_start3A_123] : memref<131072x96xf32, #tpu.memory_space<hbm>> -> memref<128x96xf32, #tpu.memory_space<hbm>>
    %dma_start3A_125 = arith.constant 0 : i32
    %dma_start3A_126 = tpu.memref_slice %arg2[%add3A_122, %dma_start3A_125] : memref<131072x96xf32, #tpu.memory_space<hbm>> -> memref<128x96xf32, #tpu.memory_space<hbm>>
    tpu.enqueue_dma source(%dma_start3A_126 : memref<128x96xf32, #tpu.memory_space<hbm>>) target(%arg8 : memref<128x96xf32, #tpu.memory_space<vmem>>) target_semaphore(%arg16 : memref<!tpu.dma_semaphore, #tpu.memory_space<semaphore_mem>>)
    %dma_wait3A_127 = arith.constant 0 : i32
    %dma_wait3A_128 = tpu.memref_slice %arg2[%add3A_80, %dma_wait3A_127] : memref<131072x96xf32, #tpu.memory_space<hbm>> -> memref<128x96xf32, #tpu.memory_space<hbm>>
    %dma_wait3A_129 = arith.constant 0 : i32
    %dma_wait3A_130 = tpu.memref_slice %arg2[%add3A_80, %dma_wait3A_129] : memref<131072x96xf32, #tpu.memory_space<hbm>> -> memref<128x96xf32, #tpu.memory_space<hbm>>
    tpu.wait_dma2 semaphore(%arg14 : memref<!tpu.dma_semaphore, #tpu.memory_space<semaphore_mem>>) src(%dma_wait3A_130 : memref<128x96xf32, #tpu.memory_space<hbm>>) dst(%arg6 : memref<128x96xf32, #tpu.memory_space<vmem>>)
    %dma_wait3A_131 = arith.constant 0 : i32
    %dma_wait3A_132 = tpu.memref_slice %arg5[%add3A_74, %dma_wait3A_131] : memref<61440x128xf32, #tpu.memory_space<hbm>> -> memref<128x128xf32, #tpu.memory_space<hbm>>
    %dma_wait3A_133 = arith.constant 0 : i32
    %dma_wait3A_134 = tpu.memref_slice %arg5[%add3A_74, %dma_wait3A_133] : memref<61440x128xf32, #tpu.memory_space<hbm>> -> memref<128x128xf32, #tpu.memory_space<hbm>>
    tpu.wait_dma2 semaphore(%arg17 : memref<!tpu.dma_semaphore, #tpu.memory_space<semaphore_mem>>) src(%arg9 : memref<128x128xf32, #tpu.memory_space<vmem>>) dst(%dma_wait3A_134 : memref<128x128xf32, #tpu.memory_space<hbm>>)
    %scan3A_135 = arith.constant 0 : i32
    %scan3A_136 = arith.constant 128 : i32
    %scan3A_137 = arith.addi %scan3A_135, %scan3A_136 : i32
    %scan3A_138 = arith.constant 1 : i32
    scf.for %scan3A_421 = %scan3A_135 to %scan3A_137 step %scan3A_138  : i32 {
      %add3A_422 = vector.broadcast %scan3A_421 : i32 to vector<16xi32>
      %add3A_423 = arith.addi %broadcast_in_dim3A_30, %add3A_422 : vector<16xi32>
      %get3A_424 = arith.index_cast %scan3A_421 : i32 to index
      %get3A_425 = arith.constant 0 : index
      %get3A_426 = tpu.vector_load %arg6[%get3A_424, %get3A_425] {strides = array<i32>} : memref<128x96xf32, #tpu.memory_space<vmem>>, vector<16xf32>,
      tpu.vector_store_idx %arg9[%add3A_423, %get3A_3], %get3A_426 : memref<128x128xf32, #tpu.memory_space<vmem>>[vector<16xi32>, vector<16xi32>], vector<16xf32>,
      %get3A_427 = arith.index_cast %scan3A_421 : i32 to index
      %get3A_428 = arith.constant 16 : index
      %get3A_429 = tpu.vector_load %arg6[%get3A_427, %get3A_428] {strides = array<i32>} : memref<128x96xf32, #tpu.memory_space<vmem>>, vector<16xf32>,
      tpu.vector_store_idx %arg9[%add3A_423, %get3A_5], %get3A_429 : memref<128x128xf32, #tpu.memory_space<vmem>>[vector<16xi32>, vector<16xi32>], vector<16xf32>,
      %get3A_430 = arith.index_cast %scan3A_421 : i32 to index
      %get3A_431 = arith.constant 32 : index
      %get3A_432 = tpu.vector_load %arg6[%get3A_430, %get3A_431] {strides = array<i32>} : memref<128x96xf32, #tpu.memory_space<vmem>>, vector<16xf32>,
      tpu.vector_store_idx %arg9[%add3A_423, %get3A_7], %get3A_432 : memref<128x128xf32, #tpu.memory_space<vmem>>[vector<16xi32>, vector<16xi32>], vector<16xf32>,
      %get3A_433 = arith.index_cast %scan3A_421 : i32 to index
      %get3A_434 = arith.constant 48 : index
      %get3A_435 = tpu.vector_load %arg6[%get3A_433, %get3A_434] {strides = array<i32>} : memref<128x96xf32, #tpu.memory_space<vmem>>, vector<16xf32>,
      tpu.vector_store_idx %arg9[%add3A_423, %get3A_9], %get3A_435 : memref<128x128xf32, #tpu.memory_space<vmem>>[vector<16xi32>, vector<16xi32>], vector<16xf32>,
      %get3A_436 = arith.index_cast %scan3A_421 : i32 to index
      %get3A_437 = arith.constant 64 : index
      %get3A_438 = tpu.vector_load %arg6[%get3A_436, %get3A_437] {strides = array<i32>} : memref<128x96xf32, #tpu.memory_space<vmem>>, vector<16xf32>,
      tpu.vector_store_idx %arg9[%add3A_423, %get3A_11], %get3A_438 : memref<128x128xf32, #tpu.memory_space<vmem>>[vector<16xi32>, vector<16xi32>], vector<16xf32>,
      %get3A_439 = arith.index_cast %scan3A_421 : i32 to index
      %get3A_440 = arith.constant 80 : index
      %get3A_441 = tpu.vector_load %arg6[%get3A_439, %get3A_440] {strides = array<i32>} : memref<128x96xf32, #tpu.memory_space<vmem>>, vector<16xf32>,
      tpu.vector_store_idx %arg9[%add3A_423, %get3A_13], %get3A_441 : memref<128x128xf32, #tpu.memory_space<vmem>>[vector<16xi32>, vector<16xi32>], vector<16xf32>,
    }
    %scan3A_139 = arith.constant 128 : i32
    %add3A_140 = arith.constant 384 : i32
    %add3A_141 = arith.addi %mul3A_2, %add3A_140 : i32
    %dma_start3A_142 = arith.constant 0 : i32
    %dma_start3A_143 = tpu.memref_slice %arg5[%add3A_141, %dma_start3A_142] : memref<61440x128xf32, #tpu.memory_space<hbm>> -> memref<128x128xf32, #tpu.memory_space<hbm>>
    %dma_start3A_144 = arith.constant 0 : i32
    %dma_start3A_145 = tpu.memref_slice %arg5[%add3A_141, %dma_start3A_144] : memref<61440x128xf32, #tpu.memory_space<hbm>> -> memref<128x128xf32, #tpu.memory_space<hbm>>
    tpu.enqueue_dma source(%arg9 : memref<128x128xf32, #tpu.memory_space<vmem>>) target(%dma_start3A_145 : memref<128x128xf32, #tpu.memory_space<hbm>>) target_semaphore(%arg17 : memref<!tpu.dma_semaphore, #tpu.memory_space<semaphore_mem>>)
    %add3A_146 = arith.constant 768 : i32
    %add3A_147 = arith.addi %mul3A_2, %add3A_146 : i32
    %dma_start3A_148 = arith.constant 0 : i32
    %dma_start3A_149 = tpu.memref_slice %arg2[%add3A_147, %dma_start3A_148] : memref<131072x96xf32, #tpu.memory_space<hbm>> -> memref<128x96xf32, #tpu.memory_space<hbm>>
    %dma_start3A_150 = arith.constant 0 : i32
    %dma_start3A_151 = tpu.memref_slice %arg2[%add3A_147, %dma_start3A_150] : memref<131072x96xf32, #tpu.memory_space<hbm>> -> memref<128x96xf32, #tpu.memory_space<hbm>>
    tpu.enqueue_dma source(%dma_start3A_151 : memref<128x96xf32, #tpu.memory_space<hbm>>) target(%arg6 : memref<128x96xf32, #tpu.memory_space<vmem>>) target_semaphore(%arg14 : memref<!tpu.dma_semaphore, #tpu.memory_space<semaphore_mem>>)
    %dma_wait3A_152 = arith.constant 0 : i32
    %dma_wait3A_153 = tpu.memref_slice %arg2[%add3A_101, %dma_wait3A_152] : memref<131072x96xf32, #tpu.memory_space<hbm>> -> memref<128x96xf32, #tpu.memory_space<hbm>>
    %dma_wait3A_154 = arith.constant 0 : i32
    %dma_wait3A_155 = tpu.memref_slice %arg2[%add3A_101, %dma_wait3A_154] : memref<131072x96xf32, #tpu.memory_space<hbm>> -> memref<128x96xf32, #tpu.memory_space<hbm>>
    tpu.wait_dma2 semaphore(%arg15 : memref<!tpu.dma_semaphore, #tpu.memory_space<semaphore_mem>>) src(%dma_wait3A_155 : memref<128x96xf32, #tpu.memory_space<hbm>>) dst(%arg7 : memref<128x96xf32, #tpu.memory_space<vmem>>)
    %dma_wait3A_156 = arith.constant 0 : i32
    %dma_wait3A_157 = tpu.memref_slice %arg5[%add3A_95, %dma_wait3A_156] : memref<61440x128xf32, #tpu.memory_space<hbm>> -> memref<128x128xf32, #tpu.memory_space<hbm>>
    %dma_wait3A_158 = arith.constant 0 : i32
    %dma_wait3A_159 = tpu.memref_slice %arg5[%add3A_95, %dma_wait3A_158] : memref<61440x128xf32, #tpu.memory_space<hbm>> -> memref<128x128xf32, #tpu.memory_space<hbm>>
    tpu.wait_dma2 semaphore(%arg18 : memref<!tpu.dma_semaphore, #tpu.memory_space<semaphore_mem>>) src(%arg10 : memref<128x128xf32, #tpu.memory_space<vmem>>) dst(%dma_wait3A_159 : memref<128x128xf32, #tpu.memory_space<hbm>>)
    %scan3A_160 = arith.constant 0 : i32
    %scan3A_161 = arith.constant 128 : i32
    %scan3A_162 = arith.addi %scan3A_160, %scan3A_161 : i32
    %scan3A_163 = arith.constant 1 : i32
    scf.for %scan3A_421 = %scan3A_160 to %scan3A_162 step %scan3A_163  : i32 {
      %add3A_422 = vector.broadcast %scan3A_421 : i32 to vector<16xi32>
      %add3A_423 = arith.addi %broadcast_in_dim3A_30, %add3A_422 : vector<16xi32>
      %get3A_424 = arith.index_cast %scan3A_421 : i32 to index
      %get3A_425 = arith.constant 0 : index
      %get3A_426 = tpu.vector_load %arg7[%get3A_424, %get3A_425] {strides = array<i32>} : memref<128x96xf32, #tpu.memory_space<vmem>>, vector<16xf32>,
      tpu.vector_store_idx %arg10[%add3A_423, %get3A_3], %get3A_426 : memref<128x128xf32, #tpu.memory_space<vmem>>[vector<16xi32>, vector<16xi32>], vector<16xf32>,
      %get3A_427 = arith.index_cast %scan3A_421 : i32 to index
      %get3A_428 = arith.constant 16 : index
      %get3A_429 = tpu.vector_load %arg7[%get3A_427, %get3A_428] {strides = array<i32>} : memref<128x96xf32, #tpu.memory_space<vmem>>, vector<16xf32>,
      tpu.vector_store_idx %arg10[%add3A_423, %get3A_5], %get3A_429 : memref<128x128xf32, #tpu.memory_space<vmem>>[vector<16xi32>, vector<16xi32>], vector<16xf32>,
      %get3A_430 = arith.index_cast %scan3A_421 : i32 to index
      %get3A_431 = arith.constant 32 : index
      %get3A_432 = tpu.vector_load %arg7[%get3A_430, %get3A_431] {strides = array<i32>} : memref<128x96xf32, #tpu.memory_space<vmem>>, vector<16xf32>,
      tpu.vector_store_idx %arg10[%add3A_423, %get3A_7], %get3A_432 : memref<128x128xf32, #tpu.memory_space<vmem>>[vector<16xi32>, vector<16xi32>], vector<16xf32>,
      %get3A_433 = arith.index_cast %scan3A_421 : i32 to index
      %get3A_434 = arith.constant 48 : index
      %get3A_435 = tpu.vector_load %arg7[%get3A_433, %get3A_434] {strides = array<i32>} : memref<128x96xf32, #tpu.memory_space<vmem>>, vector<16xf32>,
      tpu.vector_store_idx %arg10[%add3A_423, %get3A_9], %get3A_435 : memref<128x128xf32, #tpu.memory_space<vmem>>[vector<16xi32>, vector<16xi32>], vector<16xf32>,
      %get3A_436 = arith.index_cast %scan3A_421 : i32 to index
      %get3A_437 = arith.constant 64 : index
      %get3A_438 = tpu.vector_load %arg7[%get3A_436, %get3A_437] {strides = array<i32>} : memref<128x96xf32, #tpu.memory_space<vmem>>, vector<16xf32>,
      tpu.vector_store_idx %arg10[%add3A_423, %get3A_11], %get3A_438 : memref<128x128xf32, #tpu.memory_space<vmem>>[vector<16xi32>, vector<16xi32>], vector<16xf32>,
      %get3A_439 = arith.index_cast %scan3A_421 : i32 to index
      %get3A_440 = arith.constant 80 : index
      %get3A_441 = tpu.vector_load %arg7[%get3A_439, %get3A_440] {strides = array<i32>} : memref<128x96xf32, #tpu.memory_space<vmem>>, vector<16xf32>,
      tpu.vector_store_idx %arg10[%add3A_423, %get3A_13], %get3A_441 : memref<128x128xf32, #tpu.memory_space<vmem>>[vector<16xi32>, vector<16xi32>], vector<16xf32>,
    }
    %scan3A_164 = arith.constant 128 : i32
    %add3A_165 = arith.constant 512 : i32
    %add3A_166 = arith.addi %mul3A_2, %add3A_165 : i32
    %dma_start3A_167 = arith.constant 0 : i32
    %dma_start3A_168 = tpu.memref_slice %arg5[%add3A_166, %dma_start3A_167] : memref<61440x128xf32, #tpu.memory_space<hbm>> -> memref<128x128xf32, #tpu.memory_space<hbm>>
    %dma_start3A_169 = arith.constant 0 : i32
    %dma_start3A_170 = tpu.memref_slice %arg5[%add3A_166, %dma_start3A_169] : memref<61440x128xf32, #tpu.memory_space<hbm>> -> memref<128x128xf32, #tpu.memory_space<hbm>>
    tpu.enqueue_dma source(%arg10 : memref<128x128xf32, #tpu.memory_space<vmem>>) target(%dma_start3A_170 : memref<128x128xf32, #tpu.memory_space<hbm>>) target_semaphore(%arg18 : memref<!tpu.dma_semaphore, #tpu.memory_space<semaphore_mem>>)
    %add3A_171 = arith.constant 896 : i32
    %add3A_172 = arith.addi %mul3A_2, %add3A_171 : i32
    %dma_start3A_173 = arith.constant 0 : i32
    %dma_start3A_174 = tpu.memref_slice %arg2[%add3A_172, %dma_start3A_173] : memref<131072x96xf32, #tpu.memory_space<hbm>> -> memref<128x96xf32, #tpu.memory_space<hbm>>
    %dma_start3A_175 = arith.constant 0 : i32
    %dma_start3A_176 = tpu.memref_slice %arg2[%add3A_172, %dma_start3A_175] : memref<131072x96xf32, #tpu.memory_space<hbm>> -> memref<128x96xf32, #tpu.memory_space<hbm>>
    tpu.enqueue_dma source(%dma_start3A_176 : memref<128x96xf32, #tpu.memory_space<hbm>>) target(%arg7 : memref<128x96xf32, #tpu.memory_space<vmem>>) target_semaphore(%arg15 : memref<!tpu.dma_semaphore, #tpu.memory_space<semaphore_mem>>)
    %dma_wait3A_177 = arith.constant 0 : i32
    %dma_wait3A_178 = tpu.memref_slice %arg2[%add3A_122, %dma_wait3A_177] : memref<131072x96xf32, #tpu.memory_space<hbm>> -> memref<128x96xf32, #tpu.memory_space<hbm>>
    %dma_wait3A_179 = arith.constant 0 : i32
    %dma_wait3A_180 = tpu.memref_slice %arg2[%add3A_122, %dma_wait3A_179] : memref<131072x96xf32, #tpu.memory_space<hbm>> -> memref<128x96xf32, #tpu.memory_space<hbm>>
    tpu.wait_dma2 semaphore(%arg16 : memref<!tpu.dma_semaphore, #tpu.memory_space<semaphore_mem>>) src(%dma_wait3A_180 : memref<128x96xf32, #tpu.memory_space<hbm>>) dst(%arg8 : memref<128x96xf32, #tpu.memory_space<vmem>>)
    %dma_wait3A_181 = arith.constant 0 : i32
    %dma_wait3A_182 = tpu.memref_slice %arg5[%add3A_116, %dma_wait3A_181] : memref<61440x128xf32, #tpu.memory_space<hbm>> -> memref<128x128xf32, #tpu.memory_space<hbm>>
    %dma_wait3A_183 = arith.constant 0 : i32
    %dma_wait3A_184 = tpu.memref_slice %arg5[%add3A_116, %dma_wait3A_183] : memref<61440x128xf32, #tpu.memory_space<hbm>> -> memref<128x128xf32, #tpu.memory_space<hbm>>
    tpu.wait_dma2 semaphore(%arg19 : memref<!tpu.dma_semaphore, #tpu.memory_space<semaphore_mem>>) src(%arg11 : memref<128x128xf32, #tpu.memory_space<vmem>>) dst(%dma_wait3A_184 : memref<128x128xf32, #tpu.memory_space<hbm>>)
    %scan3A_185 = arith.constant 0 : i32
    %scan3A_186 = arith.constant 128 : i32
    %scan3A_187 = arith.addi %scan3A_185, %scan3A_186 : i32
    %scan3A_188 = arith.constant 1 : i32
    scf.for %scan3A_421 = %scan3A_185 to %scan3A_187 step %scan3A_188  : i32 {
      %add3A_422 = vector.broadcast %scan3A_421 : i32 to vector<16xi32>
      %add3A_423 = arith.addi %broadcast_in_dim3A_30, %add3A_422 : vector<16xi32>
      %get3A_424 = arith.index_cast %scan3A_421 : i32 to index
      %get3A_425 = arith.constant 0 : index
      %get3A_426 = tpu.vector_load %arg8[%get3A_424, %get3A_425] {strides = array<i32>} : memref<128x96xf32, #tpu.memory_space<vmem>>, vector<16xf32>,
      tpu.vector_store_idx %arg11[%add3A_423, %get3A_3], %get3A_426 : memref<128x128xf32, #tpu.memory_space<vmem>>[vector<16xi32>, vector<16xi32>], vector<16xf32>,
      %get3A_427 = arith.index_cast %scan3A_421 : i32 to index
      %get3A_428 = arith.constant 16 : index
      %get3A_429 = tpu.vector_load %arg8[%get3A_427, %get3A_428] {strides = array<i32>} : memref<128x96xf32, #tpu.memory_space<vmem>>, vector<16xf32>,
      tpu.vector_store_idx %arg11[%add3A_423, %get3A_5], %get3A_429 : memref<128x128xf32, #tpu.memory_space<vmem>>[vector<16xi32>, vector<16xi32>], vector<16xf32>,
      %get3A_430 = arith.index_cast %scan3A_421 : i32 to index
      %get3A_431 = arith.constant 32 : index
      %get3A_432 = tpu.vector_load %arg8[%get3A_430, %get3A_431] {strides = array<i32>} : memref<128x96xf32, #tpu.memory_space<vmem>>, vector<16xf32>,
      tpu.vector_store_idx %arg11[%add3A_423, %get3A_7], %get3A_432 : memref<128x128xf32, #tpu.memory_space<vmem>>[vector<16xi32>, vector<16xi32>], vector<16xf32>,
      %get3A_433 = arith.index_cast %scan3A_421 : i32 to index
      %get3A_434 = arith.constant 48 : index
      %get3A_435 = tpu.vector_load %arg8[%get3A_433, %get3A_434] {strides = array<i32>} : memref<128x96xf32, #tpu.memory_space<vmem>>, vector<16xf32>,
      tpu.vector_store_idx %arg11[%add3A_423, %get3A_9], %get3A_435 : memref<128x128xf32, #tpu.memory_space<vmem>>[vector<16xi32>, vector<16xi32>], vector<16xf32>,
      %get3A_436 = arith.index_cast %scan3A_421 : i32 to index
      %get3A_437 = arith.constant 64 : index
      %get3A_438 = tpu.vector_load %arg8[%get3A_436, %get3A_437] {strides = array<i32>} : memref<128x96xf32, #tpu.memory_space<vmem>>, vector<16xf32>,
      tpu.vector_store_idx %arg11[%add3A_423, %get3A_11], %get3A_438 : memref<128x128xf32, #tpu.memory_space<vmem>>[vector<16xi32>, vector<16xi32>], vector<16xf32>,
      %get3A_439 = arith.index_cast %scan3A_421 : i32 to index
      %get3A_440 = arith.constant 80 : index
      %get3A_441 = tpu.vector_load %arg8[%get3A_439, %get3A_440] {strides = array<i32>} : memref<128x96xf32, #tpu.memory_space<vmem>>, vector<16xf32>,
      tpu.vector_store_idx %arg11[%add3A_423, %get3A_13], %get3A_441 : memref<128x128xf32, #tpu.memory_space<vmem>>[vector<16xi32>, vector<16xi32>], vector<16xf32>,
    }
    %scan3A_189 = arith.constant 128 : i32
    %add3A_190 = arith.constant 640 : i32
    %add3A_191 = arith.addi %mul3A_2, %add3A_190 : i32
    %dma_start3A_192 = arith.constant 0 : i32
    %dma_start3A_193 = tpu.memref_slice %arg5[%add3A_191, %dma_start3A_192] : memref<61440x128xf32, #tpu.memory_space<hbm>> -> memref<128x128xf32, #tpu.memory_space<hbm>>
    %dma_start3A_194 = arith.constant 0 : i32
    %dma_start3A_195 = tpu.memref_slice %arg5[%add3A_191, %dma_start3A_194] : memref<61440x128xf32, #tpu.memory_space<hbm>> -> memref<128x128xf32, #tpu.memory_space<hbm>>
    tpu.enqueue_dma source(%arg11 : memref<128x128xf32, #tpu.memory_space<vmem>>) target(%dma_start3A_195 : memref<128x128xf32, #tpu.memory_space<hbm>>) target_semaphore(%arg19 : memref<!tpu.dma_semaphore, #tpu.memory_space<semaphore_mem>>)
    %add3A_196 = arith.constant 1024 : i32
    %add3A_197 = arith.addi %mul3A_2, %add3A_196 : i32
    %dma_start3A_198 = arith.constant 0 : i32
    %dma_start3A_199 = tpu.memref_slice %arg2[%add3A_197, %dma_start3A_198] : memref<131072x96xf32, #tpu.memory_space<hbm>> -> memref<128x96xf32, #tpu.memory_space<hbm>>
    %dma_start3A_200 = arith.constant 0 : i32
    %dma_start3A_201 = tpu.memref_slice %arg2[%add3A_197, %dma_start3A_200] : memref<131072x96xf32, #tpu.memory_space<hbm>> -> memref<128x96xf32, #tpu.memory_space<hbm>>
    tpu.enqueue_dma source(%dma_start3A_201 : memref<128x96xf32, #tpu.memory_space<hbm>>) target(%arg8 : memref<128x96xf32, #tpu.memory_space<vmem>>) target_semaphore(%arg16 : memref<!tpu.dma_semaphore, #tpu.memory_space<semaphore_mem>>)
    %dma_wait3A_202 = arith.constant 0 : i32
    %dma_wait3A_203 = tpu.memref_slice %arg2[%add3A_147, %dma_wait3A_202] : memref<131072x96xf32, #tpu.memory_space<hbm>> -> memref<128x96xf32, #tpu.memory_space<hbm>>
    %dma_wait3A_204 = arith.constant 0 : i32
    %dma_wait3A_205 = tpu.memref_slice %arg2[%add3A_147, %dma_wait3A_204] : memref<131072x96xf32, #tpu.memory_space<hbm>> -> memref<128x96xf32, #tpu.memory_space<hbm>>
    tpu.wait_dma2 semaphore(%arg14 : memref<!tpu.dma_semaphore, #tpu.memory_space<semaphore_mem>>) src(%dma_wait3A_205 : memref<128x96xf32, #tpu.memory_space<hbm>>) dst(%arg6 : memref<128x96xf32, #tpu.memory_space<vmem>>)
    %dma_wait3A_206 = arith.constant 0 : i32
    %dma_wait3A_207 = tpu.memref_slice %arg5[%add3A_141, %dma_wait3A_206] : memref<61440x128xf32, #tpu.memory_space<hbm>> -> memref<128x128xf32, #tpu.memory_space<hbm>>
    %dma_wait3A_208 = arith.constant 0 : i32
    %dma_wait3A_209 = tpu.memref_slice %arg5[%add3A_141, %dma_wait3A_208] : memref<61440x128xf32, #tpu.memory_space<hbm>> -> memref<128x128xf32, #tpu.memory_space<hbm>>
    tpu.wait_dma2 semaphore(%arg17 : memref<!tpu.dma_semaphore, #tpu.memory_space<semaphore_mem>>) src(%arg9 : memref<128x128xf32, #tpu.memory_space<vmem>>) dst(%dma_wait3A_209 : memref<128x128xf32, #tpu.memory_space<hbm>>)
    %scan3A_210 = arith.constant 0 : i32
    %scan3A_211 = arith.constant 128 : i32
    %scan3A_212 = arith.addi %scan3A_210, %scan3A_211 : i32
    %scan3A_213 = arith.constant 1 : i32
    scf.for %scan3A_421 = %scan3A_210 to %scan3A_212 step %scan3A_213  : i32 {
      %add3A_422 = vector.broadcast %scan3A_421 : i32 to vector<16xi32>
      %add3A_423 = arith.addi %broadcast_in_dim3A_30, %add3A_422 : vector<16xi32>
      %get3A_424 = arith.index_cast %scan3A_421 : i32 to index
      %get3A_425 = arith.constant 0 : index
      %get3A_426 = tpu.vector_load %arg6[%get3A_424, %get3A_425] {strides = array<i32>} : memref<128x96xf32, #tpu.memory_space<vmem>>, vector<16xf32>,
      tpu.vector_store_idx %arg9[%add3A_423, %get3A_3], %get3A_426 : memref<128x128xf32, #tpu.memory_space<vmem>>[vector<16xi32>, vector<16xi32>], vector<16xf32>,
      %get3A_427 = arith.index_cast %scan3A_421 : i32 to index
      %get3A_428 = arith.constant 16 : index
      %get3A_429 = tpu.vector_load %arg6[%get3A_427, %get3A_428] {strides = array<i32>} : memref<128x96xf32, #tpu.memory_space<vmem>>, vector<16xf32>,
      tpu.vector_store_idx %arg9[%add3A_423, %get3A_5], %get3A_429 : memref<128x128xf32, #tpu.memory_space<vmem>>[vector<16xi32>, vector<16xi32>], vector<16xf32>,
      %get3A_430 = arith.index_cast %scan3A_421 : i32 to index
      %get3A_431 = arith.constant 32 : index
      %get3A_432 = tpu.vector_load %arg6[%get3A_430, %get3A_431] {strides = array<i32>} : memref<128x96xf32, #tpu.memory_space<vmem>>, vector<16xf32>,
      tpu.vector_store_idx %arg9[%add3A_423, %get3A_7], %get3A_432 : memref<128x128xf32, #tpu.memory_space<vmem>>[vector<16xi32>, vector<16xi32>], vector<16xf32>,
      %get3A_433 = arith.index_cast %scan3A_421 : i32 to index
      %get3A_434 = arith.constant 48 : index
      %get3A_435 = tpu.vector_load %arg6[%get3A_433, %get3A_434] {strides = array<i32>} : memref<128x96xf32, #tpu.memory_space<vmem>>, vector<16xf32>,
      tpu.vector_store_idx %arg9[%add3A_423, %get3A_9], %get3A_435 : memref<128x128xf32, #tpu.memory_space<vmem>>[vector<16xi32>, vector<16xi32>], vector<16xf32>,
      %get3A_436 = arith.index_cast %scan3A_421 : i32 to index
      %get3A_437 = arith.constant 64 : index
      %get3A_438 = tpu.vector_load %arg6[%get3A_436, %get3A_437] {strides = array<i32>} : memref<128x96xf32, #tpu.memory_space<vmem>>, vector<16xf32>,
      tpu.vector_store_idx %arg9[%add3A_423, %get3A_11], %get3A_438 : memref<128x128xf32, #tpu.memory_space<vmem>>[vector<16xi32>, vector<16xi32>], vector<16xf32>,
      %get3A_439 = arith.index_cast %scan3A_421 : i32 to index
      %get3A_440 = arith.constant 80 : index
      %get3A_441 = tpu.vector_load %arg6[%get3A_439, %get3A_440] {strides = array<i32>} : memref<128x96xf32, #tpu.memory_space<vmem>>, vector<16xf32>,
      tpu.vector_store_idx %arg9[%add3A_423, %get3A_13], %get3A_441 : memref<128x128xf32, #tpu.memory_space<vmem>>[vector<16xi32>, vector<16xi32>], vector<16xf32>,
    }
    %scan3A_214 = arith.constant 128 : i32
    %add3A_215 = arith.constant 768 : i32
    %add3A_216 = arith.addi %mul3A_2, %add3A_215 : i32
    %dma_start3A_217 = arith.constant 0 : i32
    %dma_start3A_218 = tpu.memref_slice %arg5[%add3A_216, %dma_start3A_217] : memref<61440x128xf32, #tpu.memory_space<hbm>> -> memref<128x128xf32, #tpu.memory_space<hbm>>
    %dma_start3A_219 = arith.constant 0 : i32
    %dma_start3A_220 = tpu.memref_slice %arg5[%add3A_216, %dma_start3A_219] : memref<61440x128xf32, #tpu.memory_space<hbm>> -> memref<128x128xf32, #tpu.memory_space<hbm>>
    tpu.enqueue_dma source(%arg9 : memref<128x128xf32, #tpu.memory_space<vmem>>) target(%dma_start3A_220 : memref<128x128xf32, #tpu.memory_space<hbm>>) target_semaphore(%arg17 : memref<!tpu.dma_semaphore, #tpu.memory_space<semaphore_mem>>)
    %add3A_221 = arith.constant 1152 : i32
    %add3A_222 = arith.addi %mul3A_2, %add3A_221 : i32
    %dma_start3A_223 = arith.constant 0 : i32
    %dma_start3A_224 = tpu.memref_slice %arg2[%add3A_222, %dma_start3A_223] : memref<131072x96xf32, #tpu.memory_space<hbm>> -> memref<128x96xf32, #tpu.memory_space<hbm>>
    %dma_start3A_225 = arith.constant 0 : i32
    %dma_start3A_226 = tpu.memref_slice %arg2[%add3A_222, %dma_start3A_225] : memref<131072x96xf32, #tpu.memory_space<hbm>> -> memref<128x96xf32, #tpu.memory_space<hbm>>
    tpu.enqueue_dma source(%dma_start3A_226 : memref<128x96xf32, #tpu.memory_space<hbm>>) target(%arg6 : memref<128x96xf32, #tpu.memory_space<vmem>>) target_semaphore(%arg14 : memref<!tpu.dma_semaphore, #tpu.memory_space<semaphore_mem>>)
    %dma_wait3A_227 = arith.constant 0 : i32
    %dma_wait3A_228 = tpu.memref_slice %arg2[%add3A_172, %dma_wait3A_227] : memref<131072x96xf32, #tpu.memory_space<hbm>> -> memref<128x96xf32, #tpu.memory_space<hbm>>
    %dma_wait3A_229 = arith.constant 0 : i32
    %dma_wait3A_230 = tpu.memref_slice %arg2[%add3A_172, %dma_wait3A_229] : memref<131072x96xf32, #tpu.memory_space<hbm>> -> memref<128x96xf32, #tpu.memory_space<hbm>>
    tpu.wait_dma2 semaphore(%arg15 : memref<!tpu.dma_semaphore, #tpu.memory_space<semaphore_mem>>) src(%dma_wait3A_230 : memref<128x96xf32, #tpu.memory_space<hbm>>) dst(%arg7 : memref<128x96xf32, #tpu.memory_space<vmem>>)
    %dma_wait3A_231 = arith.constant 0 : i32
    %dma_wait3A_232 = tpu.memref_slice %arg5[%add3A_166, %dma_wait3A_231] : memref<61440x128xf32, #tpu.memory_space<hbm>> -> memref<128x128xf32, #tpu.memory_space<hbm>>
    %dma_wait3A_233 = arith.constant 0 : i32
    %dma_wait3A_234 = tpu.memref_slice %arg5[%add3A_166, %dma_wait3A_233] : memref<61440x128xf32, #tpu.memory_space<hbm>> -> memref<128x128xf32, #tpu.memory_space<hbm>>
    tpu.wait_dma2 semaphore(%arg18 : memref<!tpu.dma_semaphore, #tpu.memory_space<semaphore_mem>>) src(%arg10 : memref<128x128xf32, #tpu.memory_space<vmem>>) dst(%dma_wait3A_234 : memref<128x128xf32, #tpu.memory_space<hbm>>)
    %scan3A_235 = arith.constant 0 : i32
    %scan3A_236 = arith.constant 128 : i32
    %scan3A_237 = arith.addi %scan3A_235, %scan3A_236 : i32
    %scan3A_238 = arith.constant 1 : i32
    scf.for %scan3A_421 = %scan3A_235 to %scan3A_237 step %scan3A_238  : i32 {
      %add3A_422 = vector.broadcast %scan3A_421 : i32 to vector<16xi32>
      %add3A_423 = arith.addi %broadcast_in_dim3A_30, %add3A_422 : vector<16xi32>
      %get3A_424 = arith.index_cast %scan3A_421 : i32 to index
      %get3A_425 = arith.constant 0 : index
      %get3A_426 = tpu.vector_load %arg7[%get3A_424, %get3A_425] {strides = array<i32>} : memref<128x96xf32, #tpu.memory_space<vmem>>, vector<16xf32>,
      tpu.vector_store_idx %arg10[%add3A_423, %get3A_3], %get3A_426 : memref<128x128xf32, #tpu.memory_space<vmem>>[vector<16xi32>, vector<16xi32>], vector<16xf32>,
      %get3A_427 = arith.index_cast %scan3A_421 : i32 to index
      %get3A_428 = arith.constant 16 : index
      %get3A_429 = tpu.vector_load %arg7[%get3A_427, %get3A_428] {strides = array<i32>} : memref<128x96xf32, #tpu.memory_space<vmem>>, vector<16xf32>,
      tpu.vector_store_idx %arg10[%add3A_423, %get3A_5], %get3A_429 : memref<128x128xf32, #tpu.memory_space<vmem>>[vector<16xi32>, vector<16xi32>], vector<16xf32>,
      %get3A_430 = arith.index_cast %scan3A_421 : i32 to index
      %get3A_431 = arith.constant 32 : index
      %get3A_432 = tpu.vector_load %arg7[%get3A_430, %get3A_431] {strides = array<i32>} : memref<128x96xf32, #tpu.memory_space<vmem>>, vector<16xf32>,
      tpu.vector_store_idx %arg10[%add3A_423, %get3A_7], %get3A_432 : memref<128x128xf32, #tpu.memory_space<vmem>>[vector<16xi32>, vector<16xi32>], vector<16xf32>,
      %get3A_433 = arith.index_cast %scan3A_421 : i32 to index
      %get3A_434 = arith.constant 48 : index
      %get3A_435 = tpu.vector_load %arg7[%get3A_433, %get3A_434] {strides = array<i32>} : memref<128x96xf32, #tpu.memory_space<vmem>>, vector<16xf32>,
      tpu.vector_store_idx %arg10[%add3A_423, %get3A_9], %get3A_435 : memref<128x128xf32, #tpu.memory_space<vmem>>[vector<16xi32>, vector<16xi32>], vector<16xf32>,
      %get3A_436 = arith.index_cast %scan3A_421 : i32 to index
      %get3A_437 = arith.constant 64 : index
      %get3A_438 = tpu.vector_load %arg7[%get3A_436, %get3A_437] {strides = array<i32>} : memref<128x96xf32, #tpu.memory_space<vmem>>, vector<16xf32>,
      tpu.vector_store_idx %arg10[%add3A_423, %get3A_11], %get3A_438 : memref<128x128xf32, #tpu.memory_space<vmem>>[vector<16xi32>, vector<16xi32>], vector<16xf32>,
      %get3A_439 = arith.index_cast %scan3A_421 : i32 to index
      %get3A_440 = arith.constant 80 : index
      %get3A_441 = tpu.vector_load %arg7[%get3A_439, %get3A_440] {strides = array<i32>} : memref<128x96xf32, #tpu.memory_space<vmem>>, vector<16xf32>,
      tpu.vector_store_idx %arg10[%add3A_423, %get3A_13], %get3A_441 : memref<128x128xf32, #tpu.memory_space<vmem>>[vector<16xi32>, vector<16xi32>], vector<16xf32>,
    }
    %scan3A_239 = arith.constant 128 : i32
    %add3A_240 = arith.constant 896 : i32
    %add3A_241 = arith.addi %mul3A_2, %add3A_240 : i32
    %dma_start3A_242 = arith.constant 0 : i32
    %dma_start3A_243 = tpu.memref_slice %arg5[%add3A_241, %dma_start3A_242] : memref<61440x128xf32, #tpu.memory_space<hbm>> -> memref<128x128xf32, #tpu.memory_space<hbm>>
    %dma_start3A_244 = arith.constant 0 : i32
    %dma_start3A_245 = tpu.memref_slice %arg5[%add3A_241, %dma_start3A_244] : memref<61440x128xf32, #tpu.memory_space<hbm>> -> memref<128x128xf32, #tpu.memory_space<hbm>>
    tpu.enqueue_dma source(%arg10 : memref<128x128xf32, #tpu.memory_space<vmem>>) target(%dma_start3A_245 : memref<128x128xf32, #tpu.memory_space<hbm>>) target_semaphore(%arg18 : memref<!tpu.dma_semaphore, #tpu.memory_space<semaphore_mem>>)
    %add3A_246 = arith.constant 1280 : i32
    %add3A_247 = arith.addi %mul3A_2, %add3A_246 : i32
    %dma_start3A_248 = arith.constant 0 : i32
    %dma_start3A_249 = tpu.memref_slice %arg2[%add3A_247, %dma_start3A_248] : memref<131072x96xf32, #tpu.memory_space<hbm>> -> memref<128x96xf32, #tpu.memory_space<hbm>>
    %dma_start3A_250 = arith.constant 0 : i32
    %dma_start3A_251 = tpu.memref_slice %arg2[%add3A_247, %dma_start3A_250] : memref<131072x96xf32, #tpu.memory_space<hbm>> -> memref<128x96xf32, #tpu.memory_space<hbm>>
    tpu.enqueue_dma source(%dma_start3A_251 : memref<128x96xf32, #tpu.memory_space<hbm>>) target(%arg7 : memref<128x96xf32, #tpu.memory_space<vmem>>) target_semaphore(%arg15 : memref<!tpu.dma_semaphore, #tpu.memory_space<semaphore_mem>>)
    %dma_wait3A_252 = arith.constant 0 : i32
    %dma_wait3A_253 = tpu.memref_slice %arg2[%add3A_197, %dma_wait3A_252] : memref<131072x96xf32, #tpu.memory_space<hbm>> -> memref<128x96xf32, #tpu.memory_space<hbm>>
    %dma_wait3A_254 = arith.constant 0 : i32
    %dma_wait3A_255 = tpu.memref_slice %arg2[%add3A_197, %dma_wait3A_254] : memref<131072x96xf32, #tpu.memory_space<hbm>> -> memref<128x96xf32, #tpu.memory_space<hbm>>
    tpu.wait_dma2 semaphore(%arg16 : memref<!tpu.dma_semaphore, #tpu.memory_space<semaphore_mem>>) src(%dma_wait3A_255 : memref<128x96xf32, #tpu.memory_space<hbm>>) dst(%arg8 : memref<128x96xf32, #tpu.memory_space<vmem>>)
    %dma_wait3A_256 = arith.constant 0 : i32
    %dma_wait3A_257 = tpu.memref_slice %arg5[%add3A_191, %dma_wait3A_256] : memref<61440x128xf32, #tpu.memory_space<hbm>> -> memref<128x128xf32, #tpu.memory_space<hbm>>
    %dma_wait3A_258 = arith.constant 0 : i32
    %dma_wait3A_259 = tpu.memref_slice %arg5[%add3A_191, %dma_wait3A_258] : memref<61440x128xf32, #tpu.memory_space<hbm>> -> memref<128x128xf32, #tpu.memory_space<hbm>>
    tpu.wait_dma2 semaphore(%arg19 : memref<!tpu.dma_semaphore, #tpu.memory_space<semaphore_mem>>) src(%arg11 : memref<128x128xf32, #tpu.memory_space<vmem>>) dst(%dma_wait3A_259 : memref<128x128xf32, #tpu.memory_space<hbm>>)
    %scan3A_260 = arith.constant 0 : i32
    %scan3A_261 = arith.constant 128 : i32
    %scan3A_262 = arith.addi %scan3A_260, %scan3A_261 : i32
    %scan3A_263 = arith.constant 1 : i32
    scf.for %scan3A_421 = %scan3A_260 to %scan3A_262 step %scan3A_263  : i32 {
      %add3A_422 = vector.broadcast %scan3A_421 : i32 to vector<16xi32>
      %add3A_423 = arith.addi %broadcast_in_dim3A_30, %add3A_422 : vector<16xi32>
      %get3A_424 = arith.index_cast %scan3A_421 : i32 to index
      %get3A_425 = arith.constant 0 : index
      %get3A_426 = tpu.vector_load %arg8[%get3A_424, %get3A_425] {strides = array<i32>} : memref<128x96xf32, #tpu.memory_space<vmem>>, vector<16xf32>,
      tpu.vector_store_idx %arg11[%add3A_423, %get3A_3], %get3A_426 : memref<128x128xf32, #tpu.memory_space<vmem>>[vector<16xi32>, vector<16xi32>], vector<16xf32>,
      %get3A_427 = arith.index_cast %scan3A_421 : i32 to index
      %get3A_428 = arith.constant 16 : index
      %get3A_429 = tpu.vector_load %arg8[%get3A_427, %get3A_428] {strides = array<i32>} : memref<128x96xf32, #tpu.memory_space<vmem>>, vector<16xf32>,
      tpu.vector_store_idx %arg11[%add3A_423, %get3A_5], %get3A_429 : memref<128x128xf32, #tpu.memory_space<vmem>>[vector<16xi32>, vector<16xi32>], vector<16xf32>,
      %get3A_430 = arith.index_cast %scan3A_421 : i32 to index
      %get3A_431 = arith.constant 32 : index
      %get3A_432 = tpu.vector_load %arg8[%get3A_430, %get3A_431] {strides = array<i32>} : memref<128x96xf32, #tpu.memory_space<vmem>>, vector<16xf32>,
      tpu.vector_store_idx %arg11[%add3A_423, %get3A_7], %get3A_432 : memref<128x128xf32, #tpu.memory_space<vmem>>[vector<16xi32>, vector<16xi32>], vector<16xf32>,
      %get3A_433 = arith.index_cast %scan3A_421 : i32 to index
      %get3A_434 = arith.constant 48 : index
      %get3A_435 = tpu.vector_load %arg8[%get3A_433, %get3A_434] {strides = array<i32>} : memref<128x96xf32, #tpu.memory_space<vmem>>, vector<16xf32>,
      tpu.vector_store_idx %arg11[%add3A_423, %get3A_9], %get3A_435 : memref<128x128xf32, #tpu.memory_space<vmem>>[vector<16xi32>, vector<16xi32>], vector<16xf32>,
      %get3A_436 = arith.index_cast %scan3A_421 : i32 to index
      %get3A_437 = arith.constant 64 : index
      %get3A_438 = tpu.vector_load %arg8[%get3A_436, %get3A_437] {strides = array<i32>} : memref<128x96xf32, #tpu.memory_space<vmem>>, vector<16xf32>,
      tpu.vector_store_idx %arg11[%add3A_423, %get3A_11], %get3A_438 : memref<128x128xf32, #tpu.memory_space<vmem>>[vector<16xi32>, vector<16xi32>], vector<16xf32>,
      %get3A_439 = arith.index_cast %scan3A_421 : i32 to index
      %get3A_440 = arith.constant 80 : index
      %get3A_441 = tpu.vector_load %arg8[%get3A_439, %get3A_440] {strides = array<i32>} : memref<128x96xf32, #tpu.memory_space<vmem>>, vector<16xf32>,
      tpu.vector_store_idx %arg11[%add3A_423, %get3A_13], %get3A_441 : memref<128x128xf32, #tpu.memory_space<vmem>>[vector<16xi32>, vector<16xi32>], vector<16xf32>,
    }
    %scan3A_264 = arith.constant 128 : i32
    %add3A_265 = arith.constant 1024 : i32
    %add3A_266 = arith.addi %mul3A_2, %add3A_265 : i32
    %dma_start3A_267 = arith.constant 0 : i32
    %dma_start3A_268 = tpu.memref_slice %arg5[%add3A_266, %dma_start3A_267] : memref<61440x128xf32, #tpu.memory_space<hbm>> -> memref<128x128xf32, #tpu.memory_space<hbm>>
    %dma_start3A_269 = arith.constant 0 : i32
    %dma_start3A_270 = tpu.memref_slice %arg5[%add3A_266, %dma_start3A_269] : memref<61440x128xf32, #tpu.memory_space<hbm>> -> memref<128x128xf32, #tpu.memory_space<hbm>>
    tpu.enqueue_dma source(%arg11 : memref<128x128xf32, #tpu.memory_space<vmem>>) target(%dma_start3A_270 : memref<128x128xf32, #tpu.memory_space<hbm>>) target_semaphore(%arg19 : memref<!tpu.dma_semaphore, #tpu.memory_space<semaphore_mem>>)
    %add3A_271 = arith.constant 1408 : i32
    %add3A_272 = arith.addi %mul3A_2, %add3A_271 : i32
    %dma_start3A_273 = arith.constant 0 : i32
    %dma_start3A_274 = tpu.memref_slice %arg2[%add3A_272, %dma_start3A_273] : memref<131072x96xf32, #tpu.memory_space<hbm>> -> memref<128x96xf32, #tpu.memory_space<hbm>>
    %dma_start3A_275 = arith.constant 0 : i32
    %dma_start3A_276 = tpu.memref_slice %arg2[%add3A_272, %dma_start3A_275] : memref<131072x96xf32, #tpu.memory_space<hbm>> -> memref<128x96xf32, #tpu.memory_space<hbm>>
    tpu.enqueue_dma source(%dma_start3A_276 : memref<128x96xf32, #tpu.memory_space<hbm>>) target(%arg8 : memref<128x96xf32, #tpu.memory_space<vmem>>) target_semaphore(%arg16 : memref<!tpu.dma_semaphore, #tpu.memory_space<semaphore_mem>>)
    %dma_wait3A_277 = arith.constant 0 : i32
    %dma_wait3A_278 = tpu.memref_slice %arg2[%add3A_222, %dma_wait3A_277] : memref<131072x96xf32, #tpu.memory_space<hbm>> -> memref<128x96xf32, #tpu.memory_space<hbm>>
    %dma_wait3A_279 = arith.constant 0 : i32
    %dma_wait3A_280 = tpu.memref_slice %arg2[%add3A_222, %dma_wait3A_279] : memref<131072x96xf32, #tpu.memory_space<hbm>> -> memref<128x96xf32, #tpu.memory_space<hbm>>
    tpu.wait_dma2 semaphore(%arg14 : memref<!tpu.dma_semaphore, #tpu.memory_space<semaphore_mem>>) src(%dma_wait3A_280 : memref<128x96xf32, #tpu.memory_space<hbm>>) dst(%arg6 : memref<128x96xf32, #tpu.memory_space<vmem>>)
    %dma_wait3A_281 = arith.constant 0 : i32
    %dma_wait3A_282 = tpu.memref_slice %arg5[%add3A_216, %dma_wait3A_281] : memref<61440x128xf32, #tpu.memory_space<hbm>> -> memref<128x128xf32, #tpu.memory_space<hbm>>
    %dma_wait3A_283 = arith.constant 0 : i32
    %dma_wait3A_284 = tpu.memref_slice %arg5[%add3A_216, %dma_wait3A_283] : memref<61440x128xf32, #tpu.memory_space<hbm>> -> memref<128x128xf32, #tpu.memory_space<hbm>>
    tpu.wait_dma2 semaphore(%arg17 : memref<!tpu.dma_semaphore, #tpu.memory_space<semaphore_mem>>) src(%arg9 : memref<128x128xf32, #tpu.memory_space<vmem>>) dst(%dma_wait3A_284 : memref<128x128xf32, #tpu.memory_space<hbm>>)
    %scan3A_285 = arith.constant 0 : i32
    %scan3A_286 = arith.constant 128 : i32
    %scan3A_287 = arith.addi %scan3A_285, %scan3A_286 : i32
    %scan3A_288 = arith.constant 1 : i32
    scf.for %scan3A_421 = %scan3A_285 to %scan3A_287 step %scan3A_288  : i32 {
      %add3A_422 = vector.broadcast %scan3A_421 : i32 to vector<16xi32>
      %add3A_423 = arith.addi %broadcast_in_dim3A_30, %add3A_422 : vector<16xi32>
      %get3A_424 = arith.index_cast %scan3A_421 : i32 to index
      %get3A_425 = arith.constant 0 : index
      %get3A_426 = tpu.vector_load %arg6[%get3A_424, %get3A_425] {strides = array<i32>} : memref<128x96xf32, #tpu.memory_space<vmem>>, vector<16xf32>,
      tpu.vector_store_idx %arg9[%add3A_423, %get3A_3], %get3A_426 : memref<128x128xf32, #tpu.memory_space<vmem>>[vector<16xi32>, vector<16xi32>], vector<16xf32>,
      %get3A_427 = arith.index_cast %scan3A_421 : i32 to index
      %get3A_428 = arith.constant 16 : index
      %get3A_429 = tpu.vector_load %arg6[%get3A_427, %get3A_428] {strides = array<i32>} : memref<128x96xf32, #tpu.memory_space<vmem>>, vector<16xf32>,
      tpu.vector_store_idx %arg9[%add3A_423, %get3A_5], %get3A_429 : memref<128x128xf32, #tpu.memory_space<vmem>>[vector<16xi32>, vector<16xi32>], vector<16xf32>,
      %get3A_430 = arith.index_cast %scan3A_421 : i32 to index
      %get3A_431 = arith.constant 32 : index
      %get3A_432 = tpu.vector_load %arg6[%get3A_430, %get3A_431] {strides = array<i32>} : memref<128x96xf32, #tpu.memory_space<vmem>>, vector<16xf32>,
      tpu.vector_store_idx %arg9[%add3A_423, %get3A_7], %get3A_432 : memref<128x128xf32, #tpu.memory_space<vmem>>[vector<16xi32>, vector<16xi32>], vector<16xf32>,
      %get3A_433 = arith.index_cast %scan3A_421 : i32 to index
      %get3A_434 = arith.constant 48 : index
      %get3A_435 = tpu.vector_load %arg6[%get3A_433, %get3A_434] {strides = array<i32>} : memref<128x96xf32, #tpu.memory_space<vmem>>, vector<16xf32>,
      tpu.vector_store_idx %arg9[%add3A_423, %get3A_9], %get3A_435 : memref<128x128xf32, #tpu.memory_space<vmem>>[vector<16xi32>, vector<16xi32>], vector<16xf32>,
      %get3A_436 = arith.index_cast %scan3A_421 : i32 to index
      %get3A_437 = arith.constant 64 : index
      %get3A_438 = tpu.vector_load %arg6[%get3A_436, %get3A_437] {strides = array<i32>} : memref<128x96xf32, #tpu.memory_space<vmem>>, vector<16xf32>,
      tpu.vector_store_idx %arg9[%add3A_423, %get3A_11], %get3A_438 : memref<128x128xf32, #tpu.memory_space<vmem>>[vector<16xi32>, vector<16xi32>], vector<16xf32>,
      %get3A_439 = arith.index_cast %scan3A_421 : i32 to index
      %get3A_440 = arith.constant 80 : index
      %get3A_441 = tpu.vector_load %arg6[%get3A_439, %get3A_440] {strides = array<i32>} : memref<128x96xf32, #tpu.memory_space<vmem>>, vector<16xf32>,
      tpu.vector_store_idx %arg9[%add3A_423, %get3A_13], %get3A_441 : memref<128x128xf32, #tpu.memory_space<vmem>>[vector<16xi32>, vector<16xi32>], vector<16xf32>,
    }
    %scan3A_289 = arith.constant 128 : i32
    %add3A_290 = arith.constant 1152 : i32
    %add3A_291 = arith.addi %mul3A_2, %add3A_290 : i32
    %dma_start3A_292 = arith.constant 0 : i32
    %dma_start3A_293 = tpu.memref_slice %arg5[%add3A_291, %dma_start3A_292] : memref<61440x128xf32, #tpu.memory_space<hbm>> -> memref<128x128xf32, #tpu.memory_space<hbm>>
    %dma_start3A_294 = arith.constant 0 : i32
    %dma_start3A_295 = tpu.memref_slice %arg5[%add3A_291, %dma_start3A_294] : memref<61440x128xf32, #tpu.memory_space<hbm>> -> memref<128x128xf32, #tpu.memory_space<hbm>>
    tpu.enqueue_dma source(%arg9 : memref<128x128xf32, #tpu.memory_space<vmem>>) target(%dma_start3A_295 : memref<128x128xf32, #tpu.memory_space<hbm>>) target_semaphore(%arg17 : memref<!tpu.dma_semaphore, #tpu.memory_space<semaphore_mem>>)
    %add3A_296 = arith.constant 1536 : i32
    %add3A_297 = arith.addi %mul3A_2, %add3A_296 : i32
    %dma_start3A_298 = arith.constant 0 : i32
    %dma_start3A_299 = tpu.memref_slice %arg2[%add3A_297, %dma_start3A_298] : memref<131072x96xf32, #tpu.memory_space<hbm>> -> memref<128x96xf32, #tpu.memory_space<hbm>>
    %dma_start3A_300 = arith.constant 0 : i32
    %dma_start3A_301 = tpu.memref_slice %arg2[%add3A_297, %dma_start3A_300] : memref<131072x96xf32, #tpu.memory_space<hbm>> -> memref<128x96xf32, #tpu.memory_space<hbm>>
    tpu.enqueue_dma source(%dma_start3A_301 : memref<128x96xf32, #tpu.memory_space<hbm>>) target(%arg6 : memref<128x96xf32, #tpu.memory_space<vmem>>) target_semaphore(%arg14 : memref<!tpu.dma_semaphore, #tpu.memory_space<semaphore_mem>>)
    %dma_wait3A_302 = arith.constant 0 : i32
    %dma_wait3A_303 = tpu.memref_slice %arg2[%add3A_247, %dma_wait3A_302] : memref<131072x96xf32, #tpu.memory_space<hbm>> -> memref<128x96xf32, #tpu.memory_space<hbm>>
    %dma_wait3A_304 = arith.constant 0 : i32
    %dma_wait3A_305 = tpu.memref_slice %arg2[%add3A_247, %dma_wait3A_304] : memref<131072x96xf32, #tpu.memory_space<hbm>> -> memref<128x96xf32, #tpu.memory_space<hbm>>
    tpu.wait_dma2 semaphore(%arg15 : memref<!tpu.dma_semaphore, #tpu.memory_space<semaphore_mem>>) src(%dma_wait3A_305 : memref<128x96xf32, #tpu.memory_space<hbm>>) dst(%arg7 : memref<128x96xf32, #tpu.memory_space<vmem>>)
    %dma_wait3A_306 = arith.constant 0 : i32
    %dma_wait3A_307 = tpu.memref_slice %arg5[%add3A_241, %dma_wait3A_306] : memref<61440x128xf32, #tpu.memory_space<hbm>> -> memref<128x128xf32, #tpu.memory_space<hbm>>
    %dma_wait3A_308 = arith.constant 0 : i32
    %dma_wait3A_309 = tpu.memref_slice %arg5[%add3A_241, %dma_wait3A_308] : memref<61440x128xf32, #tpu.memory_space<hbm>> -> memref<128x128xf32, #tpu.memory_space<hbm>>
    tpu.wait_dma2 semaphore(%arg18 : memref<!tpu.dma_semaphore, #tpu.memory_space<semaphore_mem>>) src(%arg10 : memref<128x128xf32, #tpu.memory_space<vmem>>) dst(%dma_wait3A_309 : memref<128x128xf32, #tpu.memory_space<hbm>>)
    %scan3A_310 = arith.constant 0 : i32
    %scan3A_311 = arith.constant 128 : i32
    %scan3A_312 = arith.addi %scan3A_310, %scan3A_311 : i32
    %scan3A_313 = arith.constant 1 : i32
    scf.for %scan3A_421 = %scan3A_310 to %scan3A_312 step %scan3A_313  : i32 {
      %add3A_422 = vector.broadcast %scan3A_421 : i32 to vector<16xi32>
      %add3A_423 = arith.addi %broadcast_in_dim3A_30, %add3A_422 : vector<16xi32>
      %get3A_424 = arith.index_cast %scan3A_421 : i32 to index
      %get3A_425 = arith.constant 0 : index
      %get3A_426 = tpu.vector_load %arg7[%get3A_424, %get3A_425] {strides = array<i32>} : memref<128x96xf32, #tpu.memory_space<vmem>>, vector<16xf32>,
      tpu.vector_store_idx %arg10[%add3A_423, %get3A_3], %get3A_426 : memref<128x128xf32, #tpu.memory_space<vmem>>[vector<16xi32>, vector<16xi32>], vector<16xf32>,
      %get3A_427 = arith.index_cast %scan3A_421 : i32 to index
      %get3A_428 = arith.constant 16 : index
      %get3A_429 = tpu.vector_load %arg7[%get3A_427, %get3A_428] {strides = array<i32>} : memref<128x96xf32, #tpu.memory_space<vmem>>, vector<16xf32>,
      tpu.vector_store_idx %arg10[%add3A_423, %get3A_5], %get3A_429 : memref<128x128xf32, #tpu.memory_space<vmem>>[vector<16xi32>, vector<16xi32>], vector<16xf32>,
      %get3A_430 = arith.index_cast %scan3A_421 : i32 to index
      %get3A_431 = arith.constant 32 : index
      %get3A_432 = tpu.vector_load %arg7[%get3A_430, %get3A_431] {strides = array<i32>} : memref<128x96xf32, #tpu.memory_space<vmem>>, vector<16xf32>,
      tpu.vector_store_idx %arg10[%add3A_423, %get3A_7], %get3A_432 : memref<128x128xf32, #tpu.memory_space<vmem>>[vector<16xi32>, vector<16xi32>], vector<16xf32>,
      %get3A_433 = arith.index_cast %scan3A_421 : i32 to index
      %get3A_434 = arith.constant 48 : index
      %get3A_435 = tpu.vector_load %arg7[%get3A_433, %get3A_434] {strides = array<i32>} : memref<128x96xf32, #tpu.memory_space<vmem>>, vector<16xf32>,
      tpu.vector_store_idx %arg10[%add3A_423, %get3A_9], %get3A_435 : memref<128x128xf32, #tpu.memory_space<vmem>>[vector<16xi32>, vector<16xi32>], vector<16xf32>,
      %get3A_436 = arith.index_cast %scan3A_421 : i32 to index
      %get3A_437 = arith.constant 64 : index
      %get3A_438 = tpu.vector_load %arg7[%get3A_436, %get3A_437] {strides = array<i32>} : memref<128x96xf32, #tpu.memory_space<vmem>>, vector<16xf32>,
      tpu.vector_store_idx %arg10[%add3A_423, %get3A_11], %get3A_438 : memref<128x128xf32, #tpu.memory_space<vmem>>[vector<16xi32>, vector<16xi32>], vector<16xf32>,
      %get3A_439 = arith.index_cast %scan3A_421 : i32 to index
      %get3A_440 = arith.constant 80 : index
      %get3A_441 = tpu.vector_load %arg7[%get3A_439, %get3A_440] {strides = array<i32>} : memref<128x96xf32, #tpu.memory_space<vmem>>, vector<16xf32>,
      tpu.vector_store_idx %arg10[%add3A_423, %get3A_13], %get3A_441 : memref<128x128xf32, #tpu.memory_space<vmem>>[vector<16xi32>, vector<16xi32>], vector<16xf32>,
    }
    %scan3A_314 = arith.constant 128 : i32
    %add3A_315 = arith.constant 1280 : i32
    %add3A_316 = arith.addi %mul3A_2, %add3A_315 : i32
    %dma_start3A_317 = arith.constant 0 : i32
    %dma_start3A_318 = tpu.memref_slice %arg5[%add3A_316, %dma_start3A_317] : memref<61440x128xf32, #tpu.memory_space<hbm>> -> memref<128x128xf32, #tpu.memory_space<hbm>>
    %dma_start3A_319 = arith.constant 0 : i32
    %dma_start3A_320 = tpu.memref_slice %arg5[%add3A_316, %dma_start3A_319] : memref<61440x128xf32, #tpu.memory_space<hbm>> -> memref<128x128xf32, #tpu.memory_space<hbm>>
    tpu.enqueue_dma source(%arg10 : memref<128x128xf32, #tpu.memory_space<vmem>>) target(%dma_start3A_320 : memref<128x128xf32, #tpu.memory_space<hbm>>) target_semaphore(%arg18 : memref<!tpu.dma_semaphore, #tpu.memory_space<semaphore_mem>>)
    %add3A_321 = arith.constant 1664 : i32
    %add3A_322 = arith.addi %mul3A_2, %add3A_321 : i32
    %dma_start3A_323 = arith.constant 0 : i32
    %dma_start3A_324 = tpu.memref_slice %arg2[%add3A_322, %dma_start3A_323] : memref<131072x96xf32, #tpu.memory_space<hbm>> -> memref<128x96xf32, #tpu.memory_space<hbm>>
    %dma_start3A_325 = arith.constant 0 : i32
    %dma_start3A_326 = tpu.memref_slice %arg2[%add3A_322, %dma_start3A_325] : memref<131072x96xf32, #tpu.memory_space<hbm>> -> memref<128x96xf32, #tpu.memory_space<hbm>>
    tpu.enqueue_dma source(%dma_start3A_326 : memref<128x96xf32, #tpu.memory_space<hbm>>) target(%arg7 : memref<128x96xf32, #tpu.memory_space<vmem>>) target_semaphore(%arg15 : memref<!tpu.dma_semaphore, #tpu.memory_space<semaphore_mem>>)
    %dma_wait3A_327 = arith.constant 0 : i32
    %dma_wait3A_328 = tpu.memref_slice %arg2[%add3A_272, %dma_wait3A_327] : memref<131072x96xf32, #tpu.memory_space<hbm>> -> memref<128x96xf32, #tpu.memory_space<hbm>>
    %dma_wait3A_329 = arith.constant 0 : i32
    %dma_wait3A_330 = tpu.memref_slice %arg2[%add3A_272, %dma_wait3A_329] : memref<131072x96xf32, #tpu.memory_space<hbm>> -> memref<128x96xf32, #tpu.memory_space<hbm>>
    tpu.wait_dma2 semaphore(%arg16 : memref<!tpu.dma_semaphore, #tpu.memory_space<semaphore_mem>>) src(%dma_wait3A_330 : memref<128x96xf32, #tpu.memory_space<hbm>>) dst(%arg8 : memref<128x96xf32, #tpu.memory_space<vmem>>)
    %dma_wait3A_331 = arith.constant 0 : i32
    %dma_wait3A_332 = tpu.memref_slice %arg5[%add3A_266, %dma_wait3A_331] : memref<61440x128xf32, #tpu.memory_space<hbm>> -> memref<128x128xf32, #tpu.memory_space<hbm>>
    %dma_wait3A_333 = arith.constant 0 : i32
    %dma_wait3A_334 = tpu.memref_slice %arg5[%add3A_266, %dma_wait3A_333] : memref<61440x128xf32, #tpu.memory_space<hbm>> -> memref<128x128xf32, #tpu.memory_space<hbm>>
    tpu.wait_dma2 semaphore(%arg19 : memref<!tpu.dma_semaphore, #tpu.memory_space<semaphore_mem>>) src(%arg11 : memref<128x128xf32, #tpu.memory_space<vmem>>) dst(%dma_wait3A_334 : memref<128x128xf32, #tpu.memory_space<hbm>>)
    %scan3A_335 = arith.constant 0 : i32
    %scan3A_336 = arith.constant 128 : i32
    %scan3A_337 = arith.addi %scan3A_335, %scan3A_336 : i32
    %scan3A_338 = arith.constant 1 : i32
    scf.for %scan3A_421 = %scan3A_335 to %scan3A_337 step %scan3A_338  : i32 {
      %add3A_422 = vector.broadcast %scan3A_421 : i32 to vector<16xi32>
      %add3A_423 = arith.addi %broadcast_in_dim3A_30, %add3A_422 : vector<16xi32>
      %get3A_424 = arith.index_cast %scan3A_421 : i32 to index
      %get3A_425 = arith.constant 0 : index
      %get3A_426 = tpu.vector_load %arg8[%get3A_424, %get3A_425] {strides = array<i32>} : memref<128x96xf32, #tpu.memory_space<vmem>>, vector<16xf32>,
      tpu.vector_store_idx %arg11[%add3A_423, %get3A_3], %get3A_426 : memref<128x128xf32, #tpu.memory_space<vmem>>[vector<16xi32>, vector<16xi32>], vector<16xf32>,
      %get3A_427 = arith.index_cast %scan3A_421 : i32 to index
      %get3A_428 = arith.constant 16 : index
      %get3A_429 = tpu.vector_load %arg8[%get3A_427, %get3A_428] {strides = array<i32>} : memref<128x96xf32, #tpu.memory_space<vmem>>, vector<16xf32>,
      tpu.vector_store_idx %arg11[%add3A_423, %get3A_5], %get3A_429 : memref<128x128xf32, #tpu.memory_space<vmem>>[vector<16xi32>, vector<16xi32>], vector<16xf32>,
      %get3A_430 = arith.index_cast %scan3A_421 : i32 to index
      %get3A_431 = arith.constant 32 : index
      %get3A_432 = tpu.vector_load %arg8[%get3A_430, %get3A_431] {strides = array<i32>} : memref<128x96xf32, #tpu.memory_space<vmem>>, vector<16xf32>,
      tpu.vector_store_idx %arg11[%add3A_423, %get3A_7], %get3A_432 : memref<128x128xf32, #tpu.memory_space<vmem>>[vector<16xi32>, vector<16xi32>], vector<16xf32>,
      %get3A_433 = arith.index_cast %scan3A_421 : i32 to index
      %get3A_434 = arith.constant 48 : index
      %get3A_435 = tpu.vector_load %arg8[%get3A_433, %get3A_434] {strides = array<i32>} : memref<128x96xf32, #tpu.memory_space<vmem>>, vector<16xf32>,
      tpu.vector_store_idx %arg11[%add3A_423, %get3A_9], %get3A_435 : memref<128x128xf32, #tpu.memory_space<vmem>>[vector<16xi32>, vector<16xi32>], vector<16xf32>,
      %get3A_436 = arith.index_cast %scan3A_421 : i32 to index
      %get3A_437 = arith.constant 64 : index
      %get3A_438 = tpu.vector_load %arg8[%get3A_436, %get3A_437] {strides = array<i32>} : memref<128x96xf32, #tpu.memory_space<vmem>>, vector<16xf32>,
      tpu.vector_store_idx %arg11[%add3A_423, %get3A_11], %get3A_438 : memref<128x128xf32, #tpu.memory_space<vmem>>[vector<16xi32>, vector<16xi32>], vector<16xf32>,
      %get3A_439 = arith.index_cast %scan3A_421 : i32 to index
      %get3A_440 = arith.constant 80 : index
      %get3A_441 = tpu.vector_load %arg8[%get3A_439, %get3A_440] {strides = array<i32>} : memref<128x96xf32, #tpu.memory_space<vmem>>, vector<16xf32>,
      tpu.vector_store_idx %arg11[%add3A_423, %get3A_13], %get3A_441 : memref<128x128xf32, #tpu.memory_space<vmem>>[vector<16xi32>, vector<16xi32>], vector<16xf32>,
    }
    %scan3A_339 = arith.constant 128 : i32
    %add3A_340 = arith.constant 1408 : i32
    %add3A_341 = arith.addi %mul3A_2, %add3A_340 : i32
    %dma_start3A_342 = arith.constant 0 : i32
    %dma_start3A_343 = tpu.memref_slice %arg5[%add3A_341, %dma_start3A_342] : memref<61440x128xf32, #tpu.memory_space<hbm>> -> memref<128x128xf32, #tpu.memory_space<hbm>>
    %dma_start3A_344 = arith.constant 0 : i32
    %dma_start3A_345 = tpu.memref_slice %arg5[%add3A_341, %dma_start3A_344] : memref<61440x128xf32, #tpu.memory_space<hbm>> -> memref<128x128xf32, #tpu.memory_space<hbm>>
    tpu.enqueue_dma source(%arg11 : memref<128x128xf32, #tpu.memory_space<vmem>>) target(%dma_start3A_345 : memref<128x128xf32, #tpu.memory_space<hbm>>) target_semaphore(%arg19 : memref<!tpu.dma_semaphore, #tpu.memory_space<semaphore_mem>>)
    %add3A_346 = arith.constant 1792 : i32
    %add3A_347 = arith.addi %mul3A_2, %add3A_346 : i32
    %dma_start3A_348 = arith.constant 0 : i32
    %dma_start3A_349 = tpu.memref_slice %arg2[%add3A_347, %dma_start3A_348] : memref<131072x96xf32, #tpu.memory_space<hbm>> -> memref<128x96xf32, #tpu.memory_space<hbm>>
    %dma_start3A_350 = arith.constant 0 : i32
    %dma_start3A_351 = tpu.memref_slice %arg2[%add3A_347, %dma_start3A_350] : memref<131072x96xf32, #tpu.memory_space<hbm>> -> memref<128x96xf32, #tpu.memory_space<hbm>>
    tpu.enqueue_dma source(%dma_start3A_351 : memref<128x96xf32, #tpu.memory_space<hbm>>) target(%arg8 : memref<128x96xf32, #tpu.memory_space<vmem>>) target_semaphore(%arg16 : memref<!tpu.dma_semaphore, #tpu.memory_space<semaphore_mem>>)
    %dma_wait3A_352 = arith.constant 0 : i32
    %dma_wait3A_353 = tpu.memref_slice %arg2[%add3A_297, %dma_wait3A_352] : memref<131072x96xf32, #tpu.memory_space<hbm>> -> memref<128x96xf32, #tpu.memory_space<hbm>>
    %dma_wait3A_354 = arith.constant 0 : i32
    %dma_wait3A_355 = tpu.memref_slice %arg2[%add3A_297, %dma_wait3A_354] : memref<131072x96xf32, #tpu.memory_space<hbm>> -> memref<128x96xf32, #tpu.memory_space<hbm>>
    tpu.wait_dma2 semaphore(%arg14 : memref<!tpu.dma_semaphore, #tpu.memory_space<semaphore_mem>>) src(%dma_wait3A_355 : memref<128x96xf32, #tpu.memory_space<hbm>>) dst(%arg6 : memref<128x96xf32, #tpu.memory_space<vmem>>)
    %dma_wait3A_356 = arith.constant 0 : i32
    %dma_wait3A_357 = tpu.memref_slice %arg5[%add3A_291, %dma_wait3A_356] : memref<61440x128xf32, #tpu.memory_space<hbm>> -> memref<128x128xf32, #tpu.memory_space<hbm>>
    %dma_wait3A_358 = arith.constant 0 : i32
    %dma_wait3A_359 = tpu.memref_slice %arg5[%add3A_291, %dma_wait3A_358] : memref<61440x128xf32, #tpu.memory_space<hbm>> -> memref<128x128xf32, #tpu.memory_space<hbm>>
    tpu.wait_dma2 semaphore(%arg17 : memref<!tpu.dma_semaphore, #tpu.memory_space<semaphore_mem>>) src(%arg9 : memref<128x128xf32, #tpu.memory_space<vmem>>) dst(%dma_wait3A_359 : memref<128x128xf32, #tpu.memory_space<hbm>>)
    %scan3A_360 = arith.constant 0 : i32
    %scan3A_361 = arith.constant 128 : i32
    %scan3A_362 = arith.addi %scan3A_360, %scan3A_361 : i32
    %scan3A_363 = arith.constant 1 : i32
    scf.for %scan3A_421 = %scan3A_360 to %scan3A_362 step %scan3A_363  : i32 {
      %add3A_422 = vector.broadcast %scan3A_421 : i32 to vector<16xi32>
      %add3A_423 = arith.addi %broadcast_in_dim3A_30, %add3A_422 : vector<16xi32>
      %get3A_424 = arith.index_cast %scan3A_421 : i32 to index
      %get3A_425 = arith.constant 0 : index
      %get3A_426 = tpu.vector_load %arg6[%get3A_424, %get3A_425] {strides = array<i32>} : memref<128x96xf32, #tpu.memory_space<vmem>>, vector<16xf32>,
      tpu.vector_store_idx %arg9[%add3A_423, %get3A_3], %get3A_426 : memref<128x128xf32, #tpu.memory_space<vmem>>[vector<16xi32>, vector<16xi32>], vector<16xf32>,
      %get3A_427 = arith.index_cast %scan3A_421 : i32 to index
      %get3A_428 = arith.constant 16 : index
      %get3A_429 = tpu.vector_load %arg6[%get3A_427, %get3A_428] {strides = array<i32>} : memref<128x96xf32, #tpu.memory_space<vmem>>, vector<16xf32>,
      tpu.vector_store_idx %arg9[%add3A_423, %get3A_5], %get3A_429 : memref<128x128xf32, #tpu.memory_space<vmem>>[vector<16xi32>, vector<16xi32>], vector<16xf32>,
      %get3A_430 = arith.index_cast %scan3A_421 : i32 to index
      %get3A_431 = arith.constant 32 : index
      %get3A_432 = tpu.vector_load %arg6[%get3A_430, %get3A_431] {strides = array<i32>} : memref<128x96xf32, #tpu.memory_space<vmem>>, vector<16xf32>,
      tpu.vector_store_idx %arg9[%add3A_423, %get3A_7], %get3A_432 : memref<128x128xf32, #tpu.memory_space<vmem>>[vector<16xi32>, vector<16xi32>], vector<16xf32>,
      %get3A_433 = arith.index_cast %scan3A_421 : i32 to index
      %get3A_434 = arith.constant 48 : index
      %get3A_435 = tpu.vector_load %arg6[%get3A_433, %get3A_434] {strides = array<i32>} : memref<128x96xf32, #tpu.memory_space<vmem>>, vector<16xf32>,
      tpu.vector_store_idx %arg9[%add3A_423, %get3A_9], %get3A_435 : memref<128x128xf32, #tpu.memory_space<vmem>>[vector<16xi32>, vector<16xi32>], vector<16xf32>,
      %get3A_436 = arith.index_cast %scan3A_421 : i32 to index
      %get3A_437 = arith.constant 64 : index
      %get3A_438 = tpu.vector_load %arg6[%get3A_436, %get3A_437] {strides = array<i32>} : memref<128x96xf32, #tpu.memory_space<vmem>>, vector<16xf32>,
      tpu.vector_store_idx %arg9[%add3A_423, %get3A_11], %get3A_438 : memref<128x128xf32, #tpu.memory_space<vmem>>[vector<16xi32>, vector<16xi32>], vector<16xf32>,
      %get3A_439 = arith.index_cast %scan3A_421 : i32 to index
      %get3A_440 = arith.constant 80 : index
      %get3A_441 = tpu.vector_load %arg6[%get3A_439, %get3A_440] {strides = array<i32>} : memref<128x96xf32, #tpu.memory_space<vmem>>, vector<16xf32>,
      tpu.vector_store_idx %arg9[%add3A_423, %get3A_13], %get3A_441 : memref<128x128xf32, #tpu.memory_space<vmem>>[vector<16xi32>, vector<16xi32>], vector<16xf32>,
    }
    %scan3A_364 = arith.constant 128 : i32
    %add3A_365 = arith.constant 1536 : i32
    %add3A_366 = arith.addi %mul3A_2, %add3A_365 : i32
    %dma_start3A_367 = arith.constant 0 : i32
    %dma_start3A_368 = tpu.memref_slice %arg5[%add3A_366, %dma_start3A_367] : memref<61440x128xf32, #tpu.memory_space<hbm>> -> memref<128x128xf32, #tpu.memory_space<hbm>>
    %dma_start3A_369 = arith.constant 0 : i32
    %dma_start3A_370 = tpu.memref_slice %arg5[%add3A_366, %dma_start3A_369] : memref<61440x128xf32, #tpu.memory_space<hbm>> -> memref<128x128xf32, #tpu.memory_space<hbm>>
    tpu.enqueue_dma source(%arg9 : memref<128x128xf32, #tpu.memory_space<vmem>>) target(%dma_start3A_370 : memref<128x128xf32, #tpu.memory_space<hbm>>) target_semaphore(%arg17 : memref<!tpu.dma_semaphore, #tpu.memory_space<semaphore_mem>>)
    %dma_wait3A_371 = arith.constant 0 : i32
    %dma_wait3A_372 = tpu.memref_slice %arg2[%add3A_322, %dma_wait3A_371] : memref<131072x96xf32, #tpu.memory_space<hbm>> -> memref<128x96xf32, #tpu.memory_space<hbm>>
    %dma_wait3A_373 = arith.constant 0 : i32
    %dma_wait3A_374 = tpu.memref_slice %arg2[%add3A_322, %dma_wait3A_373] : memref<131072x96xf32, #tpu.memory_space<hbm>> -> memref<128x96xf32, #tpu.memory_space<hbm>>
    tpu.wait_dma2 semaphore(%arg15 : memref<!tpu.dma_semaphore, #tpu.memory_space<semaphore_mem>>) src(%dma_wait3A_374 : memref<128x96xf32, #tpu.memory_space<hbm>>) dst(%arg7 : memref<128x96xf32, #tpu.memory_space<vmem>>)
    %dma_wait3A_375 = arith.constant 0 : i32
    %dma_wait3A_376 = tpu.memref_slice %arg5[%add3A_316, %dma_wait3A_375] : memref<61440x128xf32, #tpu.memory_space<hbm>> -> memref<128x128xf32, #tpu.memory_space<hbm>>
    %dma_wait3A_377 = arith.constant 0 : i32
    %dma_wait3A_378 = tpu.memref_slice %arg5[%add3A_316, %dma_wait3A_377] : memref<61440x128xf32, #tpu.memory_space<hbm>> -> memref<128x128xf32, #tpu.memory_space<hbm>>
    tpu.wait_dma2 semaphore(%arg18 : memref<!tpu.dma_semaphore, #tpu.memory_space<semaphore_mem>>) src(%arg10 : memref<128x128xf32, #tpu.memory_space<vmem>>) dst(%dma_wait3A_378 : memref<128x128xf32, #tpu.memory_space<hbm>>)
    %scan3A_379 = arith.constant 0 : i32
    %scan3A_380 = arith.constant 128 : i32
    %scan3A_381 = arith.addi %scan3A_379, %scan3A_380 : i32
    %scan3A_382 = arith.constant 1 : i32
    scf.for %scan3A_421 = %scan3A_379 to %scan3A_381 step %scan3A_382  : i32 {
      %add3A_422 = vector.broadcast %scan3A_421 : i32 to vector<16xi32>
      %add3A_423 = arith.addi %broadcast_in_dim3A_30, %add3A_422 : vector<16xi32>
      %get3A_424 = arith.index_cast %scan3A_421 : i32 to index
      %get3A_425 = arith.constant 0 : index
      %get3A_426 = tpu.vector_load %arg7[%get3A_424, %get3A_425] {strides = array<i32>} : memref<128x96xf32, #tpu.memory_space<vmem>>, vector<16xf32>,
      tpu.vector_store_idx %arg10[%add3A_423, %get3A_3], %get3A_426 : memref<128x128xf32, #tpu.memory_space<vmem>>[vector<16xi32>, vector<16xi32>], vector<16xf32>,
      %get3A_427 = arith.index_cast %scan3A_421 : i32 to index
      %get3A_428 = arith.constant 16 : index
      %get3A_429 = tpu.vector_load %arg7[%get3A_427, %get3A_428] {strides = array<i32>} : memref<128x96xf32, #tpu.memory_space<vmem>>, vector<16xf32>,
      tpu.vector_store_idx %arg10[%add3A_423, %get3A_5], %get3A_429 : memref<128x128xf32, #tpu.memory_space<vmem>>[vector<16xi32>, vector<16xi32>], vector<16xf32>,
      %get3A_430 = arith.index_cast %scan3A_421 : i32 to index
      %get3A_431 = arith.constant 32 : index
      %get3A_432 = tpu.vector_load %arg7[%get3A_430, %get3A_431] {strides = array<i32>} : memref<128x96xf32, #tpu.memory_space<vmem>>, vector<16xf32>,
      tpu.vector_store_idx %arg10[%add3A_423, %get3A_7], %get3A_432 : memref<128x128xf32, #tpu.memory_space<vmem>>[vector<16xi32>, vector<16xi32>], vector<16xf32>,
      %get3A_433 = arith.index_cast %scan3A_421 : i32 to index
      %get3A_434 = arith.constant 48 : index
      %get3A_435 = tpu.vector_load %arg7[%get3A_433, %get3A_434] {strides = array<i32>} : memref<128x96xf32, #tpu.memory_space<vmem>>, vector<16xf32>,
      tpu.vector_store_idx %arg10[%add3A_423, %get3A_9], %get3A_435 : memref<128x128xf32, #tpu.memory_space<vmem>>[vector<16xi32>, vector<16xi32>], vector<16xf32>,
      %get3A_436 = arith.index_cast %scan3A_421 : i32 to index
      %get3A_437 = arith.constant 64 : index
      %get3A_438 = tpu.vector_load %arg7[%get3A_436, %get3A_437] {strides = array<i32>} : memref<128x96xf32, #tpu.memory_space<vmem>>, vector<16xf32>,
      tpu.vector_store_idx %arg10[%add3A_423, %get3A_11], %get3A_438 : memref<128x128xf32, #tpu.memory_space<vmem>>[vector<16xi32>, vector<16xi32>], vector<16xf32>,
      %get3A_439 = arith.index_cast %scan3A_421 : i32 to index
      %get3A_440 = arith.constant 80 : index
      %get3A_441 = tpu.vector_load %arg7[%get3A_439, %get3A_440] {strides = array<i32>} : memref<128x96xf32, #tpu.memory_space<vmem>>, vector<16xf32>,
      tpu.vector_store_idx %arg10[%add3A_423, %get3A_13], %get3A_441 : memref<128x128xf32, #tpu.memory_space<vmem>>[vector<16xi32>, vector<16xi32>], vector<16xf32>,
    }
    %scan3A_383 = arith.constant 128 : i32
    %add3A_384 = arith.constant 1664 : i32
    %add3A_385 = arith.addi %mul3A_2, %add3A_384 : i32
    %dma_start3A_386 = arith.constant 0 : i32
    %dma_start3A_387 = tpu.memref_slice %arg5[%add3A_385, %dma_start3A_386] : memref<61440x128xf32, #tpu.memory_space<hbm>> -> memref<128x128xf32, #tpu.memory_space<hbm>>
    %dma_start3A_388 = arith.constant 0 : i32
    %dma_start3A_389 = tpu.memref_slice %arg5[%add3A_385, %dma_start3A_388] : memref<61440x128xf32, #tpu.memory_space<hbm>> -> memref<128x128xf32, #tpu.memory_space<hbm>>
    tpu.enqueue_dma source(%arg10 : memref<128x128xf32, #tpu.memory_space<vmem>>) target(%dma_start3A_389 : memref<128x128xf32, #tpu.memory_space<hbm>>) target_semaphore(%arg18 : memref<!tpu.dma_semaphore, #tpu.memory_space<semaphore_mem>>)
    %dma_wait3A_390 = arith.constant 0 : i32
    %dma_wait3A_391 = tpu.memref_slice %arg2[%add3A_347, %dma_wait3A_390] : memref<131072x96xf32, #tpu.memory_space<hbm>> -> memref<128x96xf32, #tpu.memory_space<hbm>>
    %dma_wait3A_392 = arith.constant 0 : i32
    %dma_wait3A_393 = tpu.memref_slice %arg2[%add3A_347, %dma_wait3A_392] : memref<131072x96xf32, #tpu.memory_space<hbm>> -> memref<128x96xf32, #tpu.memory_space<hbm>>
    tpu.wait_dma2 semaphore(%arg16 : memref<!tpu.dma_semaphore, #tpu.memory_space<semaphore_mem>>) src(%dma_wait3A_393 : memref<128x96xf32, #tpu.memory_space<hbm>>) dst(%arg8 : memref<128x96xf32, #tpu.memory_space<vmem>>)
    %dma_wait3A_394 = arith.constant 0 : i32
    %dma_wait3A_395 = tpu.memref_slice %arg5[%add3A_341, %dma_wait3A_394] : memref<61440x128xf32, #tpu.memory_space<hbm>> -> memref<128x128xf32, #tpu.memory_space<hbm>>
    %dma_wait3A_396 = arith.constant 0 : i32
    %dma_wait3A_397 = tpu.memref_slice %arg5[%add3A_341, %dma_wait3A_396] : memref<61440x128xf32, #tpu.memory_space<hbm>> -> memref<128x128xf32, #tpu.memory_space<hbm>>
    tpu.wait_dma2 semaphore(%arg19 : memref<!tpu.dma_semaphore, #tpu.memory_space<semaphore_mem>>) src(%arg11 : memref<128x128xf32, #tpu.memory_space<vmem>>) dst(%dma_wait3A_397 : memref<128x128xf32, #tpu.memory_space<hbm>>)
    %scan3A_398 = arith.constant 0 : i32
    %scan3A_399 = arith.constant 128 : i32
    %scan3A_400 = arith.addi %scan3A_398, %scan3A_399 : i32
    %scan3A_401 = arith.constant 1 : i32
    scf.for %scan3A_421 = %scan3A_398 to %scan3A_400 step %scan3A_401  : i32 {
      %add3A_422 = vector.broadcast %scan3A_421 : i32 to vector<16xi32>
      %add3A_423 = arith.addi %broadcast_in_dim3A_30, %add3A_422 : vector<16xi32>
      %get3A_424 = arith.index_cast %scan3A_421 : i32 to index
      %get3A_425 = arith.constant 0 : index
      %get3A_426 = tpu.vector_load %arg8[%get3A_424, %get3A_425] {strides = array<i32>} : memref<128x96xf32, #tpu.memory_space<vmem>>, vector<16xf32>,
      tpu.vector_store_idx %arg11[%add3A_423, %get3A_3], %get3A_426 : memref<128x128xf32, #tpu.memory_space<vmem>>[vector<16xi32>, vector<16xi32>], vector<16xf32>,
      %get3A_427 = arith.index_cast %scan3A_421 : i32 to index
      %get3A_428 = arith.constant 16 : index
      %get3A_429 = tpu.vector_load %arg8[%get3A_427, %get3A_428] {strides = array<i32>} : memref<128x96xf32, #tpu.memory_space<vmem>>, vector<16xf32>,
      tpu.vector_store_idx %arg11[%add3A_423, %get3A_5], %get3A_429 : memref<128x128xf32, #tpu.memory_space<vmem>>[vector<16xi32>, vector<16xi32>], vector<16xf32>,
      %get3A_430 = arith.index_cast %scan3A_421 : i32 to index
      %get3A_431 = arith.constant 32 : index
      %get3A_432 = tpu.vector_load %arg8[%get3A_430, %get3A_431] {strides = array<i32>} : memref<128x96xf32, #tpu.memory_space<vmem>>, vector<16xf32>,
      tpu.vector_store_idx %arg11[%add3A_423, %get3A_7], %get3A_432 : memref<128x128xf32, #tpu.memory_space<vmem>>[vector<16xi32>, vector<16xi32>], vector<16xf32>,
      %get3A_433 = arith.index_cast %scan3A_421 : i32 to index
      %get3A_434 = arith.constant 48 : index
      %get3A_435 = tpu.vector_load %arg8[%get3A_433, %get3A_434] {strides = array<i32>} : memref<128x96xf32, #tpu.memory_space<vmem>>, vector<16xf32>,
      tpu.vector_store_idx %arg11[%add3A_423, %get3A_9], %get3A_435 : memref<128x128xf32, #tpu.memory_space<vmem>>[vector<16xi32>, vector<16xi32>], vector<16xf32>,
      %get3A_436 = arith.index_cast %scan3A_421 : i32 to index
      %get3A_437 = arith.constant 64 : index
      %get3A_438 = tpu.vector_load %arg8[%get3A_436, %get3A_437] {strides = array<i32>} : memref<128x96xf32, #tpu.memory_space<vmem>>, vector<16xf32>,
      tpu.vector_store_idx %arg11[%add3A_423, %get3A_11], %get3A_438 : memref<128x128xf32, #tpu.memory_space<vmem>>[vector<16xi32>, vector<16xi32>], vector<16xf32>,
      %get3A_439 = arith.index_cast %scan3A_421 : i32 to index
      %get3A_440 = arith.constant 80 : index
      %get3A_441 = tpu.vector_load %arg8[%get3A_439, %get3A_440] {strides = array<i32>} : memref<128x96xf32, #tpu.memory_space<vmem>>, vector<16xf32>,
      tpu.vector_store_idx %arg11[%add3A_423, %get3A_13], %get3A_441 : memref<128x128xf32, #tpu.memory_space<vmem>>[vector<16xi32>, vector<16xi32>], vector<16xf32>,
    }
    %scan3A_402 = arith.constant 128 : i32
    %add3A_403 = arith.constant 1792 : i32
    %add3A_404 = arith.addi %mul3A_2, %add3A_403 : i32
    %dma_start3A_405 = arith.constant 0 : i32
    %dma_start3A_406 = tpu.memref_slice %arg5[%add3A_404, %dma_start3A_405] : memref<61440x128xf32, #tpu.memory_space<hbm>> -> memref<128x128xf32, #tpu.memory_space<hbm>>
    %dma_start3A_407 = arith.constant 0 : i32
    %dma_start3A_408 = tpu.memref_slice %arg5[%add3A_404, %dma_start3A_407] : memref<61440x128xf32, #tpu.memory_space<hbm>> -> memref<128x128xf32, #tpu.memory_space<hbm>>
    tpu.enqueue_dma source(%arg11 : memref<128x128xf32, #tpu.memory_space<vmem>>) target(%dma_start3A_408 : memref<128x128xf32, #tpu.memory_space<hbm>>) target_semaphore(%arg19 : memref<!tpu.dma_semaphore, #tpu.memory_space<semaphore_mem>>)
    %dma_wait3A_409 = arith.constant 0 : i32
    %dma_wait3A_410 = tpu.memref_slice %arg5[%add3A_366, %dma_wait3A_409] : memref<61440x128xf32, #tpu.memory_space<hbm>> -> memref<128x128xf32, #tpu.memory_space<hbm>>
    %dma_wait3A_411 = arith.constant 0 : i32
    %dma_wait3A_412 = tpu.memref_slice %arg5[%add3A_366, %dma_wait3A_411] : memref<61440x128xf32, #tpu.memory_space<hbm>> -> memref<128x128xf32, #tpu.memory_space<hbm>>
    tpu.wait_dma2 semaphore(%arg17 : memref<!tpu.dma_semaphore, #tpu.memory_space<semaphore_mem>>) src(%arg9 : memref<128x128xf32, #tpu.memory_space<vmem>>) dst(%dma_wait3A_412 : memref<128x128xf32, #tpu.memory_space<hbm>>)
    %dma_wait3A_413 = arith.constant 0 : i32
    %dma_wait3A_414 = tpu.memref_slice %arg5[%add3A_385, %dma_wait3A_413] : memref<61440x128xf32, #tpu.memory_space<hbm>> -> memref<128x128xf32, #tpu.memory_space<hbm>>
    %dma_wait3A_415 = arith.constant 0 : i32
    %dma_wait3A_416 = tpu.memref_slice %arg5[%add3A_385, %dma_wait3A_415] : memref<61440x128xf32, #tpu.memory_space<hbm>> -> memref<128x128xf32, #tpu.memory_space<hbm>>
    tpu.wait_dma2 semaphore(%arg18 : memref<!tpu.dma_semaphore, #tpu.memory_space<semaphore_mem>>) src(%arg10 : memref<128x128xf32, #tpu.memory_space<vmem>>) dst(%dma_wait3A_416 : memref<128x128xf32, #tpu.memory_space<hbm>>)
    %dma_wait3A_417 = arith.constant 0 : i32
    %dma_wait3A_418 = tpu.memref_slice %arg5[%add3A_404, %dma_wait3A_417] : memref<61440x128xf32, #tpu.memory_space<hbm>> -> memref<128x128xf32, #tpu.memory_space<hbm>>
    %dma_wait3A_419 = arith.constant 0 : i32
    %dma_wait3A_420 = tpu.memref_slice %arg5[%add3A_404, %dma_wait3A_419] : memref<61440x128xf32, #tpu.memory_space<hbm>> -> memref<128x128xf32, #tpu.memory_space<hbm>>
    tpu.wait_dma2 semaphore(%arg19 : memref<!tpu.dma_semaphore, #tpu.memory_space<semaphore_mem>>) src(%arg11 : memref<128x128xf32, #tpu.memory_space<vmem>>) dst(%dma_wait3A_420 : memref<128x128xf32, #tpu.memory_space<hbm>>)
    return
  }
}

module attributes {stable_mosaic.version = 14 : i64} {
  func.func @body(%arg0: i32, %arg1: memref<2048x96xf32, #tpu.memory_space<vmem>>, %arg2: memref<96xi32, #tpu.memory_space<vmem>>, %arg3: memref<128xf32, #tpu.memory_space<vmem>>, %arg4: memref<2048x128xf32, #tpu.memory_space<vmem>>) attributes {dimension_semantics = [#tpu.dimension_semantics<arbitrary>], iteration_bounds = array<i64: 34>, scalar_prefetch = 0 : i64, scratch_operands = 0 : i64, tpu.core_type = #tpu.core_type<tc>, window_params = [{transform_indices = @transform_0, window_bounds = array<i64: 2048, 96>}, {pipeline_mode = #tpu.pipeline_mode<synchronous>, transform_indices = @transform_1, window_bounds = array<i64: 96>}, {pipeline_mode = #tpu.pipeline_mode<synchronous>, transform_indices = @transform_2, window_bounds = array<i64: 128>}, {transform_indices = @transform_3, window_bounds = array<i64: 2048, 128>}]} {
    %get3A = arith.constant 0 : index
    %get3A_0 = vector.load %arg2[%get3A] : memref<96xi32, #tpu.memory_space<vmem>>, vector<96xi32>
    %iota3A = tpu.iota {dimensions = array<i32: 1>} : vector<96x128xi32>
    %broadcast_in_dim3A = vector.shape_cast %get3A_0 : vector<96xi32> to vector<96x1xi32>
    %eq3A = vector.broadcast %broadcast_in_dim3A : vector<96x1xi32> to vector<96x128xi32>
    %eq3A_1 = arith.cmpi eq, %iota3A, %eq3A : vector<96x128xi32>
    %convert_element_type3A = arith.extui %eq3A_1 : vector<96x128xi1> to vector<96x128xi32>
    %convert_element_type3A_2 = arith.sitofp %convert_element_type3A : vector<96x128xi32> to vector<96x128xf32>
    %get3A_3 = arith.constant 0 : index
    %get3A_4 = vector.load %arg3[%get3A_3] : memref<128xf32, #tpu.memory_space<vmem>>, vector<128xf32>
    %reduce_max3A = arith.constant dense<0xFF800000> : vector<128xf32>
    %reduce_max3A_5 = vector.multi_reduction <maximumf>, %convert_element_type3A_2, %reduce_max3A [0] : vector<96x128xf32> to vector<128xf32>
    %sub3A = arith.constant 1.000000e+00 : f32
    %sub3A_6 = vector.broadcast %sub3A : f32 to vector<128xf32>
    %sub3A_7 = arith.subf %sub3A_6, %reduce_max3A_5 : vector<128xf32>
    %mul3A = arith.mulf %get3A_4, %sub3A_7 : vector<128xf32>
    %get3A_8 = arith.constant 0 : index
    %get3A_9 = arith.constant 0 : index
    %get3A_10 = vector.load %arg1[%get3A_8, %get3A_9] : memref<2048x96xf32, #tpu.memory_space<vmem>>, vector<2048x96xf32>
    %dot_general3A = arith.constant dense<0.000000e+00> : vector<2048x128xf32>
    %dot_general3A_11 = tpu.matmul %get3A_10, %convert_element_type3A_2, %dot_general3A {dimension_numbers = #tpu.dot_dimension_numbers<[1], [0], [0], [1], [0, 0, 1, 1], [], []>, precision = #tpu.contract_precision<fp32>, transpose_lhs_hint = false} : vector<2048x96xf32>, vector<96x128xf32>, vector<2048x128xf32> -> vector<2048x128xf32>
    %broadcast_in_dim3A_12 = vector.shape_cast %mul3A : vector<128xf32> to vector<1x128xf32>
    %add3A = vector.broadcast %broadcast_in_dim3A_12 : vector<1x128xf32> to vector<2048x128xf32>
    %add3A_13 = arith.addf %dot_general3A_11, %add3A : vector<2048x128xf32>
    %swap3A = arith.constant 0 : index
    %swap3A_14 = arith.constant 0 : index
    %swap3A_15 = vector.load %arg4[%swap3A, %swap3A_14] : memref<2048x128xf32, #tpu.memory_space<vmem>>, vector<2048x128xf32>
    tpu.vector_store %arg4[%swap3A, %swap3A_14], %add3A_13 {strides = array<i32>} : memref<2048x128xf32, #tpu.memory_space<vmem>>, vector<2048x128xf32>,
    return
  }
  func.func @transform_0(%arg0: i32) -> (i32, i32) {
    %add3A = arith.constant 30 : i32
    %add3A_0 = arith.addi %arg0, %add3A : i32
    %c0_i32 = arith.constant 0 : i32
    %c0_i32_1 = arith.constant 0 : i32
    return %add3A_0, %c0_i32 : i32, i32
  }
  func.func @transform_1(%arg0: i32) -> i32 {
    %c0_i32 = arith.constant 0 : i32
    %c0_i32_0 = arith.constant 0 : i32
    return %c0_i32 : i32
  }
  func.func @transform_2(%arg0: i32) -> i32 {
    %c0_i32 = arith.constant 0 : i32
    %c0_i32_0 = arith.constant 0 : i32
    return %c0_i32 : i32
  }
  func.func @transform_3(%arg0: i32) -> (i32, i32) {
    %add3A = arith.constant 30 : i32
    %add3A_0 = arith.addi %arg0, %add3A : i32
    %c0_i32 = arith.constant 0 : i32
    %c0_i32_1 = arith.constant 0 : i32
    return %add3A_0, %c0_i32 : i32, i32
  }
}

</mosaic_0001>

<sc_bundles>
// kernel: kernel.4.cloned.1.call-start
scs
__scs_entry_jumppad:
0x0: {  	(pc) =	sbr.rel $0x88, $3  }
0x1: {  	(tag) =	ssettag $0x0;
	lr =	simm.s32 $0x1  }
0x2: {  	[smem:$0x3F9E] =	sst lr;
	_ =	strace $0xD0000000  }
0x3: {  	_ = 	snop  }
0x4: {  	_ = 	snop  }
0x5: {  	_ = 	snop  }
0x6: {  	_ = 	snop  }
0x7: {  	_ = 	snop  }
__scs_overlays_trampoline_lowered:
0x8: {  	[smem:$0x3FAD] =	sst s0  }
0x9: {  	[smem:$0x3FAE] =	sst s1  }
0xa: {  	[smem:$0x3FAF] =	sst s2  }
0xb: {  	[smem:$0x3FB0] =	sst s3  }
0xc: {  	[smem:$0x3FB1] =	sst s4  }
0xd: {  	[smem:$0x3FB2] =	sst s5  }
0xe: {  	[smem:$0x3FB3] =	sst s6  }
0xf: {  	[smem:$0x3FB4] =	sst s7  }
0x10: {  	[smem:$0x3FB5] =	sst s8  }
0x11: {  	[smem:$0x3FB6] =	sst s9;
	s0 =	simm.s32 @!p0 $0x0  }
0x12: {  	s1 =	sld [smem:$0x3F9C];
	s0 =	simm.s32 @p0 $0x1  }
0x13: {  	[smem:$0x3FB7] =	sst s0;
	s0 =	simm.s32 @!p1 $0x0  }
0x14: {  	s2 =	sld [smem:$0x3F9B];
	s0 =	simm.s32 @p1 $0x1  }
0x15: {  	[smem:$0x3FB8] =	sst s0;
	s0 =	simm.s32 @!p2 $0x0  }
0x16: {  	s3 =	sld [smem:$0x3FDB];
	s0 =	simm.s32 @p2 $0x1  }
0x17: {  	s4 =	simm.s32 $0x1BF5;
	[smem:$0x3FBA] =	sst s0  }
0x18: {  	s0 =	sld [smem:$0x3F9D];
	_ =	swait.ge [sflag:s4], $0x0  }
0x19: {  	s7 =	sld [smem:$0x3F9E]  }
0x1a: {  	s8 =	sadd.s32 $0xFFFFE003, lr  }
0x1b: {  	s9 =	sadd.s32 $0xFFFFFEF7, lr;
	s5 =	simm.s32 $0xFFFFFFFF;
	p2 =	slt.u32 s8, $0xFFFFF086  }
0x1c: {  	p1 =	slt.u32 s9, $0xF7A;
	s5 =	simm.s32 @!p2 $0x0  }
0x1d: {  	s5 =	simm.s32 @p1 $0x1;
	p0 =	seq.s32 s7, s2  }
0x1e: {  	s7 =	smul.u32 @!p0 $0xF7A, s2;
	p2 =	seq.s32 @!p0 s5, $0x0  }
0x1f: {  	s9 =	smul.u32 $0xF7A, s1;
	s8 =	simm.s32 @!p0 $0x1BF5;
	p2 =	por !p2, p0  }
0x20: {  	[sflag:s8] =	ssyncset.s32 @!p0 $0xFFFFF086;
	s6 =	sadd.s32 @!p0 s3, s7;
	s7 =	simm.s32 @!p0 $0x108  }
0x21: {  	s3 =	sadd.s32 s3, s9;
	s6 =	sadd.s32 @!p0 $0x88, s6;
	s7 =	simm.s32 @p2 $0x1082  }
0x22: {  	[simem:s7], [sflag:s8] =	dma.local @!p0 [hbm:s6], $0xF7A  }
0x23: {  	s9 =	sor.u32 $0xD0000000, s2;
	s6 =	simm.s32 $0x108;
	_ =	swait.ge @!p0 [sflag:s8], $0x0  }
0x24: {  	s3 =	sadd.s32 $0x88, s3;
	s6 =	simm.s32 @!p1 $0x1082;
	[sflag:s4] =	ssyncset.s32 $0xFFFFF086  }
0x25: {  	[simem:s6], [sflag:s4] =	dma.local [hbm:s3], $0xF7A  }
0x26: {  	[smem:$0x3F9E] =	sst s1;
	(tag) =	ssettag s2;
	_ =	strace s9  }
0x27: {  	s1 =	sld [smem:$0x3FAE]  }
0x28: {  	s2 =	sld [smem:$0x3FAF]  }
0x29: {  	s4 =	sld [smem:$0x3FB1]  }
0x2a: {  	p0 =	seq.s32 s5, $0x0;
	s5 =	sld [smem:$0x3FB2]  }
0x2b: {  	s6 =	sld [smem:$0x3FB3]  }
0x2c: {  	s7 =	sld [smem:$0x3FB4]  }
0x2d: {  	s3 =	simm.s32 $0x108;
	s8 =	sld [smem:$0x3FB5]  }
0x2e: {  	s3 =	simm.s32 @!p0 $0x1082;
	s9 =	sld [smem:$0x3FB6]  }
0x2f: {  	lr =	sadd.s32 s0, s3;
	s0 =	sld [smem:$0x3FAD]  }
0x30: {  	s3 =	sld [smem:$0x3FB0]  }
0x31: {  	[smem:$0x3FB9] =	sst s10  }
0x32: {  	s10 =	sld [smem:$0x3FB7];
	_ =	sdelay $0x3  }
0x33: {  	p0 =	seq.s32 s10, $0x1;
	s10 =	sld [smem:$0x3FB9];
	_ =	sdelay $0x3  }
0x34: {  	[smem:$0x3FB9] =	sst s10  }
0x35: {  	s10 =	sld [smem:$0x3FB8];
	_ =	sdelay $0x3  }
0x36: {  	p1 =	seq.s32 s10, $0x1;
	s10 =	sld [smem:$0x3FB9];
	_ =	sdelay $0x3  }
0x37: {  	[smem:$0x3FB9] =	sst s10  }
0x38: {  	s10 =	sld [smem:$0x3FBA]  }
0x39: {  	_ = 	snop;
	(pc) =	sbr.ind lr, $3  }
0x3a: {  	_ = 	snop  }
0x3b: {  	_ = 	snop  }
0x3c: {  	p2 =	seq.s32 s10, $0x1;
	s10 =	sld [smem:$0x3FB9]  }
0x3d: {  	_ =	shalt  }
0x3e: {  	_ =	shalt  }
0x3f: {  	_ =	shalt  }
0x40: {  	_ =	shalt  }
0x41: {  	_ =	shalt  }
0x42: {  	_ =	shalt  }
0x43: {  	_ =	shalt  }
0x44: {  	_ =	shalt  }
0x45: {  	_ =	shalt  }
0x46: {  	_ =	shalt  }
0x47: {  	_ =	shalt  }
0x48: {  	_ =	shalt  }
0x49: {  	_ =	shalt  }
0x4a: {  	_ =	shalt  }
0x4b: {  	_ =	shalt  }
0x4c: {  	_ =	shalt  }
0x4d: {  	_ =	shalt  }
0x4e: {  	_ =	shalt  }
0x4f: {  	_ =	shalt  }
0x50: {  	_ =	shalt  }
0x51: {  	_ =	shalt  }
0x52: {  	_ =	shalt  }
0x53: {  	_ =	shalt  }
0x54: {  	_ =	shalt  }
0x55: {  	_ =	shalt  }
0x56: {  	_ =	shalt  }
0x57: {  	_ =	shalt  }
0x58: {  	_ =	shalt  }
0x59: {  	_ =	shalt  }
0x5a: {  	_ =	shalt  }
0x5b: {  	_ =	shalt  }
0x5c: {  	_ =	shalt  }
0x5d: {  	_ =	shalt  }
0x5e: {  	_ =	shalt  }
0x5f: {  	_ =	shalt  }
0x60: {  	_ =	shalt  }
0x61: {  	_ =	shalt  }
0x62: {  	_ =	shalt  }
0x63: {  	_ =	shalt  }
0x64: {  	_ =	shalt  }
0x65: {  	_ =	shalt  }
0x66: {  	_ =	shalt  }
0x67: {  	_ =	shalt  }
0x68: {  	_ =	shalt  }
0x69: {  	_ =	shalt  }
0x6a: {  	_ =	shalt  }
0x6b: {  	_ =	shalt  }
0x6c: {  	_ =	shalt  }
0x6d: {  	_ =	shalt  }
0x6e: {  	_ =	shalt  }
0x6f: {  	_ =	shalt  }
0x70: {  	_ =	shalt  }
0x71: {  	_ =	shalt  }
0x72: {  	_ =	shalt  }
0x73: {  	_ =	shalt  }
0x74: {  	_ =	shalt  }
0x75: {  	_ =	shalt  }
0x76: {  	_ =	shalt  }
0x77: {  	_ =	shalt  }
0x78: {  	_ =	shalt  }
0x79: {  	_ =	shalt  }
0x7a: {  	_ =	shalt  }
0x7b: {  	_ =	shalt  }
0x7c: {  	_ =	shalt  }
0x7d: {  	_ =	shalt  }
0x7e: {  	_ =	shalt  }
0x7f: {  	_ =	shalt  }
0x80: {  	_ =	shalt  }
0x81: {  	_ =	shalt  }
0x82: {  	_ =	shalt  }
0x83: {  	_ =	shalt  }
0x84: {  	_ =	shalt  }
0x85: {  	_ =	shalt  }
0x86: {  	_ =	shalt  }
0x87: {  	_ =	shalt  }
.Lfunc_end0:
.L_simem_size_0:
called_computation_lowered:
.L_overlay_start_0:
0x88: {  	s2 =	sld [smem:$0x3FD9]  }
0x89: {  	s3 =	sld [smem:$0x3FFE];
	_ =	sdelay $0x1  }
0x8a: {  	s1 =	srdreg.scid  }
0x8b: {  	s0 =	sand.u32 $0x1, s1  }
0x8c: {  	s17 =	sshll.u32 s0, $0xA;
	s2 =	sadd.s32 s3, s2  }
0x8d: {  	s2 =	sadd.s32 s2, s17  }
0x8e: {  	[smem:$0x3FC5] =	sst s2  }
0x8f: {  	_ = 	snop  }
0x90: {  	s2 =	sld [smem:$0x3FC8]  }
0x91: {  	s18 =	sld [smem:$0x3FC7];
	(tm) =	ssettm $0x1  }
0x92: {  	s4 =	sld [smem:$0x3FFB];
	_ =	sdelay $0x3  }
0x93: {  	_ =	strace s4  }
0x94: {  	s4 =	sld [smem:$0x3FFC];
	_ =	sdelay $0x3  }
0x95: {  	_ =	strace s4  }
0x96: {  	s4 =	sld [smem:$0x3FFD];
	_ =	sdelay $0x3  }
0x97: {  	_ =	strace s4  }
0x98: {  	_ =	strace $0x8FFFFFFF  }
0x99: {  	s19 =	sld [smem:$0x3FDB];
	_ =	sdelay $0x1  }
0x9a: {  	s5 =	simm.s32 $_scs_section_size  }
0x9b: {  	s6 =	simm.s32 $_size__tile_overlayer_lowered;
	s7 =	simm.s32 $_tile_overlayer_lowered  }
0x9c: {  	s22 =	simm.s32 $0x1BFF;
	s21 =	sshll.u32 s7, $0x1;
	s4 =	sadd.s32 s5, s19  }
0x9d: {  	s8 =	simm.s32 $0x0;
	s20 =	sshll.u32 s6, $0x1;
	s6 =	sadd.s32 s21, s4  }
0x9e: {  	[timem:s8], [sflag:s22] =	dma.local [hbm:s6], s20  }
0x9f: {  	_ =	swait.ge [sflag:s22], s20  }
0xa0: {  	s5 =	ssub.s32 $0x0, s20;
	[sflag:s22] =	ssyncset.done $0x0  }
0xa1: {  	[sflag:s22] =	ssyncadd.s32 s5;
	_ =	sdelay $0x1  }
0xa2: {  	s23 =	simm.s32 $0x1B8B  }
0xa3: {  	_ =	swait.ge [sflag:s23], $0x1  }
0xa4: {  	[sflag:s23] =	ssyncset.done $0x0  }
0xa5: {  	s25 =	simm.s32 $0x1B8E;
	s24 =	sld [smem:$0x3FFE];
	[sflag:s23] =	ssyncadd.s32 $0xFFFFFFFF  }
0xa6: {  	s26 =	simm.s32 $execute0_lowered;
	[smem:$0x3FD2] =	sst s25  }
0xa7: {  	s6 =	sshll.u32 s26, $0x1;
	_ =	strace $0x80000046;
	[dreg:$0x1] =	wrdreg $0xFFFFFFFF  }
0xa8: {  	s28 =	simm.s32 $_size_execute0_lowered;
	s4 =	sadd.s32 s4, s6;
	[dreg:$0x0] =	wrdreg $0x0  }
0xa9: {  	s6 =	sshll.u32 s28, $0x1;
	[dreg:$0x2] =	wrdreg s4  }
0xaa: {  	[dreg:$0x3] =	wrdreg s6  }
0xab: {  	[dreg:$0x4] =	wrdreg $0xC0  }
0xac: {  	_ =	task [dreg:s8], $0x5FFFF  }
0xad: {  	[dreg:$0x1] =	wrdreg $0xFFFFFFFF  }
0xae: {  	[dreg:$0x0] =	wrdreg $0x60  }
0xaf: {  	[dreg:$0x2] =	wrdreg s24  }
0xb0: {  	[dreg:$0x3] =	wrdreg s18  }
0xb1: {  	[dreg:$0x4] =	wrdreg s2  }
0xb2: {  	[dreg:$0x5] =	wrdreg $0x9  }
0xb3: {  	_ =	task.clear_ibuf [dreg:s8], $0x6FFFF;
	_ =	strace $0x90000046  }
0xb4: {  	s29 =	simm.s32 $0x9;
	_ =	strace $0x80000048  }
0xb5: {  	_ =	swait.ge [sflag:s29], $0x1  }
0xb6: {  	[sflag:s29] =	ssyncadd.s32 $0xFFFFFFFF  }
0xb7: {  	_ =	strace $0x90000048  }
0xb8: {  	_ =	sfence  }
0xb9: {  	s30 =	sld [smem:$0x0];
	_ =	sdelay $0x2  }
0xba: {  	s31 =	sshll.u32 s1, $0xD;
	s1 =	sshrl.u32 s1, $0x2  }
0xbb: {  	s3 =	sand.u32 $0x4000, s31;
	s1 =	sadd.s32 s1, s30  }
0xbc: {  	s0 =	sor.u32 s3, s0;
	s1 =	sshll.u32 s1, $0x11  }
0xbd: {  	s0 =	sor.u32 s1, s0  }
0xbe: {  	s0 =	sadd.s32 $0x8F2B, s0  }
0xbf: {  	[sflag:s0] =	ssyncadd.remote.s32 $0x1  }
0xc0: {  	_ =	sfence.sel $0xFFFF  }
0xc1: {  	[dreg:$0x0] =	wrdreg $0xFFFFFFFF;
	(pc) =	sbr.abs _section_cstart, $3  }
0xc2: {  	[dreg:$0x1] =	wrdreg $0xFFFFFFFF  }
0xc3: {  	_ =	task.clear_ibuf [dreg:s8], $0x2FFFF;
	_ =	strace $0x9FFFFFFF  }
0xc4: {  	(tm) =	ssettm $0x7FFFFFFF  }
0xc5: {  	_ =	shalt  }
tec
execute0_lowered:
.L_overlay_start_1:
0x0: {  	(tag) =	ssettag $0x1  }
0x1: {  	s0 =	srdreg.scid;
	s1 =	stileid.u32  }
0x2: {  	s0 =	sand.u32 $0x1, s0;
	s1 =	sshll.u32 s1, $0x1  }
0x3: {  	s3 =	rddreg [dreg:$0x0];
	s2 =	sor.u32 s0, s1  }
0x4: {  	s5 =	sadd.s32 $0x800, s3;
	s4 =	smul.u32 $0x3C000, s2  }
0x5: {  	s1 =	simm.s32 $0x0;
	s0 =	ssub.s32 $0x2, s0;
	s2 =	smul.u32 $0x7800, s2  }
0x6: {  	s3 =	sadd.s32 $0x200800, s3;
	[smem:$0x7FF] =	sst s1;
	s6 =	sshrl.u32 s0, $0x1  }
0x7: {  	s6 =	ssub.s32 s0, s6;
	s4 =	sshrl.u32 s4, $0x3;
	s7 =	sadd.s32 s5, s2  }
0x8: {  	s2 =	sadd.s32 s3, s2;
	s17 =	sadd.s32 $0x800, s4;
	[dreg:$0x4] =	wrdreg s7  }
0x9: {  	s19 =	sadd.s32 $0x1000, s4;
	[dreg:$0x7] =	wrdreg s2;
	s20 =	sadd.s32 $0x1800, s4  }
0xa: {  	s22 =	sadd.s32 $0x2000, s4;
	s24 =	sadd.s32 $0x2800, s4;
	s18 =	sadd.s32 s5, s17  }
0xb: {  	s26 =	sadd.s32 $0x3000, s4;
	s8 =	sadd.s32 s5, s19;
	[dreg:$0x5] =	wrdreg s18  }
0xc: {  	s10 =	sadd.s32 $0x3800, s4;
	s21 =	sadd.s32 s5, s20;
	[dreg:$0x6] =	wrdreg s8  }
0xd: {  	s12 =	sadd.s32 $0x4000, s4;
	s0 =	sadd.s32 s3, s17;
	[dreg:$0x8] =	wrdreg s21  }
0xe: {  	s14 =	sadd.s32 $0x4800, s4;
	s23 =	sadd.s32 s5, s22;
	[dreg:$0x9] =	wrdreg s0  }
0xf: {  	s16 =	sadd.s32 $0x5000, s4;
	s7 =	sadd.s32 s3, s19;
	[dreg:$0xa] =	wrdreg s23  }
0x10: {  	s25 =	sadd.s32 s5, s24;
	s2 =	sadd.s32 s3, s20;
	[dreg:$0xb] =	wrdreg s7  }
0x11: {  	s9 =	sadd.s32 s5, s26;
	s11 =	sadd.s32 s5, s10;
	[dreg:$0xc] =	wrdreg s25  }
0x12: {  	s13 =	sadd.s32 s5, s12;
	s15 =	sadd.s32 s5, s14;
	[dreg:$0xd] =	wrdreg s2  }
0x13: {  	s19 =	sadd.s32 s3, s10;
	s20 =	sadd.s32 s3, s12;
	[dreg:$0xe] =	wrdreg s9  }
0x14: {  	s17 =	sadd.s32 $0x5800, s4;
	s10 =	simm.s32 $0x3;
	[dreg:$0x10] =	wrdreg s11  }
0x15: {  	s12 =	simm.s32 $0x4;
	s0 =	sadd.s32 s3, s22;
	[dreg:$0x12] =	wrdreg s13  }
0x16: {  	s7 =	sadd.s32 s3, s24;
	s2 =	sadd.s32 s3, s26;
	[dreg:$0x14] =	wrdreg s15  }
0x17: {  	s21 =	sadd.s32 s3, s14;
	s22 =	sadd.s32 s5, s16;
	s23 =	sadd.s32 s3, s16  }
0x18: {  	s24 =	sadd.s32 s5, s17;
	s25 =	sadd.s32 s3, s17;
	s18 =	sadd.s32 $0x6000, s4  }
0x19: {  	s26 =	sadd.s32 $0x6800, s4;
	s4 =	sadd.s32 $0x7000, s4;
	s8 =	simm.s32 $0x2  }
0x1a: {  	s9 =	simm.s32 $0x10000;
	s11 =	simm.s32 $0x14000;
	[dreg:$0xf] =	wrdreg s0  }
0x1b: {  	s13 =	simm.s32 $0x5;
	s14 =	simm.s32 $0x6;
	[dreg:$0x11] =	wrdreg s7  }
0x1c: {  	s15 =	simm.s32 $0x0;
	[dreg:$0x13] =	wrdreg s2;
	s29 =	sadd.s32 s5, s18  }
0x1d: {  	s30 =	sadd.s32 s5, s26;
	s31 =	sadd.s32 s5, s4;
	s0 =	sadd.s32 s3, s18  }
0x1e: {  	s26 =	sadd.s32 s3, s26;
	s28 =	sadd.s32 s3, s4;
	s2 =	smax.u32 s6, $0x1  }
0x1f: {  	s3 =	simm.s32 $0x7;
	s4 =	simm.s32 $0x4000;
	s5 =	simm.s32 $0x8000  }
0x20: {  	s6 =	simm.s32 $0x1;
	s7 =	simm.s32 $0xC000;
	_ =	strace $0x80000047  }
.LBB2_1:
0x21: {  	s16 =	rddreg [dreg:$0x1];
	s17 =	simm.s32 $0x18000  }
0x22: {  	[tilespmem:s17], [sflag:$0x7] =	stream.linear.gather [hbm4b:s16+s1], $0x80, $0x38;
	[tilespmem:$0x18100] =	vst v63  }
0x23: {  	_ =	swait.ge [sflag:s3], $0x80  }
0x24: {  	[sflag:s3] =	ssyncset.done $0x0  }
0x25: {  	[sflag:s3] =	ssyncadd.s32 $0xFFFFFF80  }
0x26: {  	s18 =	simm.s32 $0x18080;
	s17 =	rddreg [dreg:$0x2]  }
0x27: {  	[tilespmem:s18], [sflag:$0x7] =	stream.linear.gather [hbm4b:s17+s1], $0x80, $0x38;
	[tilespmem:$0x18100] =	vst v63  }
0x28: {  	_ =	swait.ge [sflag:s3], $0x80  }
0x29: {  	[sflag:s3] =	ssyncset.done $0x0  }
0x2a: {  	[sflag:s3] =	ssyncadd.s32 $0xFFFFFF80  }
0x2b: {  	v5 =	vld [tilespmem:$0x18000]  }
0x2c: {  	v4 =	vld [tilespmem:$0x18010]  }
0x2d: {  	v3 =	vld [tilespmem:$0x18020]  }
0x2e: {  	v2 =	vld [tilespmem:$0x18030]  }
0x2f: {  	v1 =	vld [tilespmem:$0x18040]  }
0x30: {  	v0 =	vld [tilespmem:$0x18050]  }
0x31: {  	v6 =	vld [tilespmem:$0x18080]  }
0x32: {  	v7 =	vld [tilespmem:$0x18090]  }
0x33: {  	v8 =	vld [tilespmem:$0x180A0]  }
0x34: {  	v13 =	vld [tilespmem:$0x180F0]  }
0x35: {  	v9 =	vld [tilespmem:$0x180B0]  }
0x36: {  	v10 =	vld [tilespmem:$0x180C0]  }
0x37: {  	v11 =	vld [tilespmem:$0x180D0]  }
0x38: {  	s16 =	simm.s32 $0x0;
	s17 =	simm.s32 $0x200;
	v12 =	vld [tilespmem:$0x180E0]  }
.LBB2_2:
0x39: {  	p0 =	sne.s32 s17, $0xFE00;
	[tilespmem:s16+$0xC070] =	vst v13  }
0x3a: {  	[tilespmem:s16+$0xC000] =	vst v6  }
0x3b: {  	[tilespmem:s16+$0xC010] =	vst v7  }
.Ltmp0:
0x3c: {  	[tilespmem:s16+$0xC020] =	vst v8;
	(pc) =	sbr.rel @p0 .LBB2_2-.Ltmp0, $4  }
0x3d: {  	[tilespmem:s16+$0xC030] =	vst v9  }
0x3e: {  	[tilespmem:s16+$0xC040] =	vst v10  }
0x3f: {  	[tilespmem:s16+$0xC050] =	vst v11  }
0x40: {  	[tilespmem:s16+$0xC060] =	vst v12;
	s16 =	sshra.s32 s17, $0x2;
	s17 =	sadd.s32 $0x200, s17  }
0x41: {  	[tilespmem:s16+$0xC070] =	vst v13  }
0x42: {  	[tilespmem:s16+$0xC000] =	vst v6  }
0x43: {  	[tilespmem:s16+$0xC010] =	vst v7  }
0x44: {  	[tilespmem:s16+$0xC020] =	vst v8  }
0x45: {  	[tilespmem:s16+$0xC030] =	vst v9  }
0x46: {  	[tilespmem:s16+$0xC040] =	vst v10  }
0x47: {  	[tilespmem:s16+$0xC050] =	vst v11  }
0x48: {  	[tilespmem:s16+$0xC060] =	vst v12;
	s16 =	simm.s32 $0x0;
	s17 =	simm.s32 $0x200  }
.LBB2_4:
0x49: {  	p0 =	sne.s32 s17, $0xFE00;
	[tilespmem:s16+$0x10070] =	vst v13  }
0x4a: {  	[tilespmem:s16+$0x10000] =	vst v6  }
0x4b: {  	[tilespmem:s16+$0x10010] =	vst v7  }
.Ltmp1:
0x4c: {  	[tilespmem:s16+$0x10020] =	vst v8;
	(pc) =	sbr.rel @p0 .LBB2_4-.Ltmp1, $4  }
0x4d: {  	[tilespmem:s16+$0x10030] =	vst v9  }
0x4e: {  	[tilespmem:s16+$0x10040] =	vst v10  }
0x4f: {  	[tilespmem:s16+$0x10050] =	vst v11  }
0x50: {  	[tilespmem:s16+$0x10060] =	vst v12;
	s16 =	sshra.s32 s17, $0x2;
	s17 =	sadd.s32 $0x200, s17  }
0x51: {  	[tilespmem:s16+$0x10070] =	vst v13  }
0x52: {  	[tilespmem:s16+$0x10000] =	vst v6  }
0x53: {  	[tilespmem:s16+$0x10010] =	vst v7  }
0x54: {  	[tilespmem:s16+$0x10020] =	vst v8  }
0x55: {  	[tilespmem:s16+$0x10030] =	vst v9  }
0x56: {  	[tilespmem:s16+$0x10040] =	vst v10  }
0x57: {  	[tilespmem:s16+$0x10050] =	vst v11  }
0x58: {  	[tilespmem:s16+$0x10060] =	vst v12;
	s16 =	simm.s32 $0x0;
	s17 =	simm.s32 $0x200  }
.LBB2_6:
0x59: {  	p0 =	sne.s32 s17, $0xFE00;
	[tilespmem:s16+$0x14070] =	vst v13  }
0x5a: {  	[tilespmem:s16+$0x14000] =	vst v6  }
0x5b: {  	[tilespmem:s16+$0x14010] =	vst v7  }
.Ltmp2:
0x5c: {  	[tilespmem:s16+$0x14020] =	vst v8;
	(pc) =	sbr.rel @p0 .LBB2_6-.Ltmp2, $4  }
0x5d: {  	[tilespmem:s16+$0x14030] =	vst v9  }
0x5e: {  	[tilespmem:s16+$0x14040] =	vst v10  }
0x5f: {  	[tilespmem:s16+$0x14050] =	vst v11  }
0x60: {  	[tilespmem:s16+$0x14060] =	vst v12;
	s16 =	sshra.s32 s17, $0x2;
	s17 =	sadd.s32 $0x200, s17  }
0x61: {  	[tilespmem:s16+$0x14070] =	vst v13  }
0x62: {  	[tilespmem:s16+$0x14000] =	vst v6  }
0x63: {  	[tilespmem:s16+$0x14010] =	vst v7  }
0x64: {  	[tilespmem:s16+$0x14020] =	vst v8  }
0x65: {  	[tilespmem:s16+$0x14030] =	vst v9  }
0x66: {  	[tilespmem:s16+$0x14040] =	vst v10  }
0x67: {  	[tilespmem:s16+$0x14050] =	vst v11  }
0x68: {  	[tilespmem:s16+$0x14060] =	vst v12;
	s16 =	simm.s32 $0x0;
	s17 =	rddreg [dreg:$0x4]  }
0x69: {  	[tilespmem:s16], [sflag:$0x1] =	stream.linear.gather [hbm4b:s17+s16], $0x4000, $0x38;
	[tilespmem:$0x18100] =	vst v63  }
0x6a: {  	s18 =	rddreg [dreg:$0x5]  }
0x6b: {  	[tilespmem:s4], [sflag:$0x2] =	stream.linear.gather [hbm4b:s18+s16], $0x4000, $0x38;
	[tilespmem:$0x18100] =	vst v63  }
0x6c: {  	s18 =	rddreg [dreg:$0x6]  }
0x6d: {  	[tilespmem:s5], [sflag:$0x3] =	stream.linear.gather [hbm4b:s18+s16], $0x4000, $0x38;
	[tilespmem:$0x18100] =	vst v63  }
0x6e: {  	_ =	swait.ge [sflag:s6], $0x4000  }
0x6f: {  	s17 =	simm.s32 $0x0;
	[sflag:s6] =	ssyncset.done $0x0  }
0x70: {  	s16 =	simm.s32 $0x30;
	s18 =	simm.s32 $0x1;
	[sflag:s6] =	ssyncadd.s32 $0xFFFFC000  }
.LBB2_8:
0x71: {  	p0 =	sne.s32 s18, $0x7F;
	v6 =	vld [tilespmem:s16+$0xFFFFFFD0];
	v7 =	vadd.s32 s17, v5;
	_ =	sdelay $0x4  }
0x72: {  	[tilespmem:v7+s7+$0x0] =	vst.idx.msk $0xffff, v6  }
0x73: {  	v7 =	vadd.s32 s17, v4;
	v6 =	vld [tilespmem:s16+$0xFFFFFFE0];
	_ =	sdelay $0x4  }
0x74: {  	[tilespmem:v7+s7+$0x0] =	vst.idx.msk $0xffff, v6  }
0x75: {  	v7 =	vadd.s32 s17, v3;
	v6 =	vld [tilespmem:s16+$0xFFFFFFF0];
	_ =	sdelay $0x4  }
0x76: {  	[tilespmem:v7+s7+$0x0] =	vst.idx.msk $0xffff, v6  }
0x77: {  	v7 =	vadd.s32 s17, v2;
	v6 =	vld [tilespmem:s16+$0x0];
	_ =	sdelay $0x4  }
0x78: {  	[tilespmem:v7+s7+$0x0] =	vst.idx.msk $0xffff, v6  }
0x79: {  	v7 =	vadd.s32 s17, v1;
	v6 =	vld [tilespmem:s16+$0x10];
	_ =	sdelay $0x4  }
0x7a: {  	[tilespmem:v7+s7+$0x0] =	vst.idx.msk $0xffff, v6  }
0x7b: {  	v7 =	vadd.s32 s17, v0;
	v6 =	vld [tilespmem:s16+$0x20]  }
.Ltmp3:
0x7c: {  	(pc) =	sbr.rel @p0 .LBB2_8-.Ltmp3, $2  }
0x7d: {  	_ =	sdelay $0x2  }
0x7e: {  	s17 =	sshll.u32 s18, $0x7;
	s18 =	sadd.s32 $0x1, s18;
	s16 =	sadd.s32 $0x80, s16;
	[tilespmem:v7+s7+$0x0] =	vst.idx.msk $0xffff, v6  }
0x7f: {  	v6 =	vld [tilespmem:s16+$0xFFFFFFD0];
	v7 =	vadd.s32 s17, v5;
	_ =	sdelay $0x4  }
0x80: {  	[tilespmem:v7+s7+$0x0] =	vst.idx.msk $0xffff, v6  }
0x81: {  	v7 =	vadd.s32 s17, v4;
	v6 =	vld [tilespmem:s16+$0xFFFFFFE0];
	_ =	sdelay $0x4  }
0x82: {  	[tilespmem:v7+s7+$0x0] =	vst.idx.msk $0xffff, v6  }
0x83: {  	v7 =	vadd.s32 s17, v3;
	v6 =	vld [tilespmem:s16+$0xFFFFFFF0];
	_ =	sdelay $0x4  }
0x84: {  	[tilespmem:v7+s7+$0x0] =	vst.idx.msk $0xffff, v6  }
0x85: {  	v7 =	vadd.s32 s17, v2;
	v6 =	vld [tilespmem:s16+$0x0];
	_ =	sdelay $0x4  }
0x86: {  	[tilespmem:v7+s7+$0x0] =	vst.idx.msk $0xffff, v6  }
0x87: {  	v7 =	vadd.s32 s17, v1;
	v6 =	vld [tilespmem:s16+$0x10];
	_ =	sdelay $0x4  }
0x88: {  	[tilespmem:v7+s7+$0x0] =	vst.idx.msk $0xffff, v6  }
0x89: {  	v7 =	vadd.s32 s17, v0;
	v6 =	vld [tilespmem:s16+$0x20];
	_ =	sdelay $0x4  }
0x8a: {  	s18 =	rddreg [dreg:$0x7];
	s16 =	simm.s32 $0x0;
	[tilespmem:v7+s7+$0x0] =	vst.idx.msk $0xffff, v6  }
0x8b: {  	[hbm4b:s18+s16] =	stream.linear.scatter [tilespmem:s7], [sflag:$0x4], $0x4000, $0x38;
	[tilespmem:$0x18100] =	vst v63  }
0x8c: {  	s18 =	rddreg [dreg:$0x8]  }
0x8d: {  	[tilespmem:s16], [sflag:$0x1] =	stream.linear.gather [hbm4b:s18+s16], $0x4000, $0x38;
	[tilespmem:$0x18100] =	vst v63  }
0x8e: {  	_ =	swait.ge [sflag:s8], $0x4000  }
0x8f: {  	s17 =	simm.s32 $0x0;
	[sflag:s8] =	ssyncset.done $0x0  }
0x90: {  	s16 =	simm.s32 $0x4030;
	s18 =	simm.s32 $0x1;
	[sflag:s8] =	ssyncadd.s32 $0xFFFFC000  }
.LBB2_10:
0x91: {  	p0 =	sne.s32 s18, $0x7F;
	v6 =	vld [tilespmem:s16+$0xFFFFFFD0];
	v7 =	vadd.s32 s17, v5;
	_ =	sdelay $0x4  }
0x92: {  	[tilespmem:v7+s9+$0x0] =	vst.idx.msk $0xffff, v6  }
0x93: {  	v7 =	vadd.s32 s17, v4;
	v6 =	vld [tilespmem:s16+$0xFFFFFFE0];
	_ =	sdelay $0x4  }
0x94: {  	[tilespmem:v7+s9+$0x0] =	vst.idx.msk $0xffff, v6  }
0x95: {  	v7 =	vadd.s32 s17, v3;
	v6 =	vld [tilespmem:s16+$0xFFFFFFF0];
	_ =	sdelay $0x4  }
0x96: {  	[tilespmem:v7+s9+$0x0] =	vst.idx.msk $0xffff, v6  }
0x97: {  	v7 =	vadd.s32 s17, v2;
	v6 =	vld [tilespmem:s16+$0x0];
	_ =	sdelay $0x4  }
0x98: {  	[tilespmem:v7+s9+$0x0] =	vst.idx.msk $0xffff, v6  }
0x99: {  	v7 =	vadd.s32 s17, v1;
	v6 =	vld [tilespmem:s16+$0x10];
	_ =	sdelay $0x4  }
0x9a: {  	[tilespmem:v7+s9+$0x0] =	vst.idx.msk $0xffff, v6  }
0x9b: {  	v7 =	vadd.s32 s17, v0;
	v6 =	vld [tilespmem:s16+$0x20]  }
.Ltmp4:
0x9c: {  	(pc) =	sbr.rel @p0 .LBB2_10-.Ltmp4, $2  }
0x9d: {  	_ =	sdelay $0x2  }
0x9e: {  	s17 =	sshll.u32 s18, $0x7;
	s18 =	sadd.s32 $0x1, s18;
	s16 =	sadd.s32 $0x80, s16;
	[tilespmem:v7+s9+$0x0] =	vst.idx.msk $0xffff, v6  }
0x9f: {  	v6 =	vld [tilespmem:s16+$0xFFFFFFD0];
	v7 =	vadd.s32 s17, v5;
	_ =	sdelay $0x4  }
0xa0: {  	[tilespmem:v7+s9+$0x0] =	vst.idx.msk $0xffff, v6  }
0xa1: {  	v7 =	vadd.s32 s17, v4;
	v6 =	vld [tilespmem:s16+$0xFFFFFFE0];
	_ =	sdelay $0x4  }
0xa2: {  	[tilespmem:v7+s9+$0x0] =	vst.idx.msk $0xffff, v6  }
0xa3: {  	v7 =	vadd.s32 s17, v3;
	v6 =	vld [tilespmem:s16+$0xFFFFFFF0];
	_ =	sdelay $0x4  }
0xa4: {  	[tilespmem:v7+s9+$0x0] =	vst.idx.msk $0xffff, v6  }
0xa5: {  	v7 =	vadd.s32 s17, v2;
	v6 =	vld [tilespmem:s16+$0x0];
	_ =	sdelay $0x4  }
0xa6: {  	[tilespmem:v7+s9+$0x0] =	vst.idx.msk $0xffff, v6  }
0xa7: {  	v7 =	vadd.s32 s17, v1;
	v6 =	vld [tilespmem:s16+$0x10];
	_ =	sdelay $0x4  }
0xa8: {  	[tilespmem:v7+s9+$0x0] =	vst.idx.msk $0xffff, v6  }
0xa9: {  	v7 =	vadd.s32 s17, v0;
	v6 =	vld [tilespmem:s16+$0x20];
	_ =	sdelay $0x4  }
0xaa: {  	s18 =	rddreg [dreg:$0x9];
	s16 =	simm.s32 $0x0;
	[tilespmem:v7+s9+$0x0] =	vst.idx.msk $0xffff, v6  }
0xab: {  	[hbm4b:s18+s16] =	stream.linear.scatter [tilespmem:s9], [sflag:$0x5], $0x4000, $0x38;
	[tilespmem:$0x18100] =	vst v63  }
0xac: {  	s18 =	rddreg [dreg:$0xa]  }
0xad: {  	[tilespmem:s4], [sflag:$0x2] =	stream.linear.gather [hbm4b:s18+s16], $0x4000, $0x38;
	[tilespmem:$0x18100] =	vst v63  }
0xae: {  	_ =	swait.ge [sflag:s10], $0x4000  }
0xaf: {  	s17 =	simm.s32 $0x0;
	[sflag:s10] =	ssyncset.done $0x0  }
0xb0: {  	s16 =	simm.s32 $0x8030;
	s18 =	simm.s32 $0x1;
	[sflag:s10] =	ssyncadd.s32 $0xFFFFC000  }
.LBB2_12:
0xb1: {  	p0 =	sne.s32 s18, $0x7F;
	v6 =	vld [tilespmem:s16+$0xFFFFFFD0];
	v7 =	vadd.s32 s17, v5;
	_ =	sdelay $0x4  }
0xb2: {  	[tilespmem:v7+s11+$0x0] =	vst.idx.msk $0xffff, v6  }
0xb3: {  	v7 =	vadd.s32 s17, v4;
	v6 =	vld [tilespmem:s16+$0xFFFFFFE0];
	_ =	sdelay $0x4  }
0xb4: {  	[tilespmem:v7+s11+$0x0] =	vst.idx.msk $0xffff, v6  }
0xb5: {  	v7 =	vadd.s32 s17, v3;
	v6 =	vld [tilespmem:s16+$0xFFFFFFF0];
	_ =	sdelay $0x4  }
0xb6: {  	[tilespmem:v7+s11+$0x0] =	vst.idx.msk $0xffff, v6  }
0xb7: {  	v7 =	vadd.s32 s17, v2;
	v6 =	vld [tilespmem:s16+$0x0];
	_ =	sdelay $0x4  }
0xb8: {  	[tilespmem:v7+s11+$0x0] =	vst.idx.msk $0xffff, v6  }
0xb9: {  	v7 =	vadd.s32 s17, v1;
	v6 =	vld [tilespmem:s16+$0x10];
	_ =	sdelay $0x4  }
0xba: {  	[tilespmem:v7+s11+$0x0] =	vst.idx.msk $0xffff, v6  }
0xbb: {  	v7 =	vadd.s32 s17, v0;
	v6 =	vld [tilespmem:s16+$0x20]  }
.Ltmp5:
0xbc: {  	(pc) =	sbr.rel @p0 .LBB2_12-.Ltmp5, $2  }
0xbd: {  	_ =	sdelay $0x2  }
0xbe: {  	s17 =	sshll.u32 s18, $0x7;
	s18 =	sadd.s32 $0x1, s18;
	s16 =	sadd.s32 $0x80, s16;
	[tilespmem:v7+s11+$0x0] =	vst.idx.msk $0xffff, v6  }
0xbf: {  	v6 =	vld [tilespmem:s16+$0xFFFFFFD0];
	v7 =	vadd.s32 s17, v5;
	_ =	sdelay $0x4  }
0xc0: {  	[tilespmem:v7+s11+$0x0] =	vst.idx.msk $0xffff, v6  }
0xc1: {  	v7 =	vadd.s32 s17, v4;
	v6 =	vld [tilespmem:s16+$0xFFFFFFE0];
	_ =	sdelay $0x4  }
0xc2: {  	[tilespmem:v7+s11+$0x0] =	vst.idx.msk $0xffff, v6  }
0xc3: {  	v7 =	vadd.s32 s17, v3;
	v6 =	vld [tilespmem:s16+$0xFFFFFFF0];
	_ =	sdelay $0x4  }
0xc4: {  	[tilespmem:v7+s11+$0x0] =	vst.idx.msk $0xffff, v6  }
0xc5: {  	v7 =	vadd.s32 s17, v2;
	v6 =	vld [tilespmem:s16+$0x0];
	_ =	sdelay $0x4  }
0xc6: {  	[tilespmem:v7+s11+$0x0] =	vst.idx.msk $0xffff, v6  }
0xc7: {  	v7 =	vadd.s32 s17, v1;
	v6 =	vld [tilespmem:s16+$0x10];
	_ =	sdelay $0x4  }
0xc8: {  	[tilespmem:v7+s11+$0x0] =	vst.idx.msk $0xffff, v6  }
0xc9: {  	v7 =	vadd.s32 s17, v0;
	v6 =	vld [tilespmem:s16+$0x20];
	_ =	sdelay $0x4  }
0xca: {  	s18 =	rddreg [dreg:$0xb];
	s16 =	simm.s32 $0x0;
	[tilespmem:v7+s11+$0x0] =	vst.idx.msk $0xffff, v6  }
0xcb: {  	[hbm4b:s18+s16] =	stream.linear.scatter [tilespmem:s11], [sflag:$0x6], $0x4000, $0x38;
	[tilespmem:$0x18100] =	vst v63  }
0xcc: {  	s18 =	rddreg [dreg:$0xc]  }
0xcd: {  	[tilespmem:s5], [sflag:$0x3] =	stream.linear.gather [hbm4b:s18+s16], $0x4000, $0x38;
	[tilespmem:$0x18100] =	vst v63  }
0xce: {  	_ =	swait.ge [sflag:s6], $0x4000  }
0xcf: {  	[sflag:s6] =	ssyncset.done $0x0  }
0xd0: {  	[sflag:s6] =	ssyncadd.s32 $0xFFFFC000  }
0xd1: {  	_ =	swait.ge [sflag:s12], $0x4000  }
0xd2: {  	s17 =	simm.s32 $0x0;
	[sflag:s12] =	ssyncset.done $0x0  }
0xd3: {  	s16 =	simm.s32 $0x30;
	s18 =	simm.s32 $0x1;
	[sflag:s12] =	ssyncadd.s32 $0xFFFFC000  }
.LBB2_14:
0xd4: {  	p0 =	sne.s32 s18, $0x7F;
	v6 =	vld [tilespmem:s16+$0xFFFFFFD0];
	v7 =	vadd.s32 s17, v5;
	_ =	sdelay $0x4  }
0xd5: {  	[tilespmem:v7+s7+$0x0] =	vst.idx.msk $0xffff, v6  }
0xd6: {  	v7 =	vadd.s32 s17, v4;
	v6 =	vld [tilespmem:s16+$0xFFFFFFE0];
	_ =	sdelay $0x4  }
0xd7: {  	[tilespmem:v7+s7+$0x0] =	vst.idx.msk $0xffff, v6  }
0xd8: {  	v7 =	vadd.s32 s17, v3;
	v6 =	vld [tilespmem:s16+$0xFFFFFFF0];
	_ =	sdelay $0x4  }
0xd9: {  	[tilespmem:v7+s7+$0x0] =	vst.idx.msk $0xffff, v6  }
0xda: {  	v7 =	vadd.s32 s17, v2;
	v6 =	vld [tilespmem:s16+$0x0];
	_ =	sdelay $0x4  }
0xdb: {  	[tilespmem:v7+s7+$0x0] =	vst.idx.msk $0xffff, v6  }
0xdc: {  	v7 =	vadd.s32 s17, v1;
	v6 =	vld [tilespmem:s16+$0x10];
	_ =	sdelay $0x4  }
0xdd: {  	[tilespmem:v7+s7+$0x0] =	vst.idx.msk $0xffff, v6  }
0xde: {  	v7 =	vadd.s32 s17, v0;
	v6 =	vld [tilespmem:s16+$0x20]  }
.Ltmp6:
0xdf: {  	(pc) =	sbr.rel @p0 .LBB2_14-.Ltmp6, $2  }
0xe0: {  	_ =	sdelay $0x2  }
0xe1: {  	s17 =	sshll.u32 s18, $0x7;
	s18 =	sadd.s32 $0x1, s18;
	s16 =	sadd.s32 $0x80, s16;
	[tilespmem:v7+s7+$0x0] =	vst.idx.msk $0xffff, v6  }
0xe2: {  	v6 =	vld [tilespmem:s16+$0xFFFFFFD0];
	v7 =	vadd.s32 s17, v5;
	_ =	sdelay $0x4  }
0xe3: {  	[tilespmem:v7+s7+$0x0] =	vst.idx.msk $0xffff, v6  }
0xe4: {  	v7 =	vadd.s32 s17, v4;
	v6 =	vld [tilespmem:s16+$0xFFFFFFE0];
	_ =	sdelay $0x4  }
0xe5: {  	[tilespmem:v7+s7+$0x0] =	vst.idx.msk $0xffff, v6  }
0xe6: {  	v7 =	vadd.s32 s17, v3;
	v6 =	vld [tilespmem:s16+$0xFFFFFFF0];
	_ =	sdelay $0x4  }
0xe7: {  	[tilespmem:v7+s7+$0x0] =	vst.idx.msk $0xffff, v6  }
0xe8: {  	v7 =	vadd.s32 s17, v2;
	v6 =	vld [tilespmem:s16+$0x0];
	_ =	sdelay $0x4  }
0xe9: {  	[tilespmem:v7+s7+$0x0] =	vst.idx.msk $0xffff, v6  }
0xea: {  	v7 =	vadd.s32 s17, v1;
	v6 =	vld [tilespmem:s16+$0x10];
	_ =	sdelay $0x4  }
0xeb: {  	[tilespmem:v7+s7+$0x0] =	vst.idx.msk $0xffff, v6  }
0xec: {  	v7 =	vadd.s32 s17, v0;
	v6 =	vld [tilespmem:s16+$0x20];
	_ =	sdelay $0x4  }
0xed: {  	s18 =	rddreg [dreg:$0xd];
	s16 =	simm.s32 $0x0;
	[tilespmem:v7+s7+$0x0] =	vst.idx.msk $0xffff, v6  }
0xee: {  	[hbm4b:s18+s16] =	stream.linear.scatter [tilespmem:s7], [sflag:$0x4], $0x4000, $0x38;
	[tilespmem:$0x18100] =	vst v63  }
0xef: {  	s18 =	rddreg [dreg:$0xe]  }
0xf0: {  	[tilespmem:s16], [sflag:$0x1] =	stream.linear.gather [hbm4b:s18+s16], $0x4000, $0x38;
	[tilespmem:$0x18100] =	vst v63  }
0xf1: {  	_ =	swait.ge [sflag:s8], $0x4000  }
0xf2: {  	[sflag:s8] =	ssyncset.done $0x0  }
0xf3: {  	[sflag:s8] =	ssyncadd.s32 $0xFFFFC000  }
0xf4: {  	_ =	swait.ge [sflag:s13], $0x4000  }
0xf5: {  	s17 =	simm.s32 $0x0;
	[sflag:s13] =	ssyncset.done $0x0  }
0xf6: {  	s16 =	simm.s32 $0x4030;
	s18 =	simm.s32 $0x1;
	[sflag:s13] =	ssyncadd.s32 $0xFFFFC000  }
.LBB2_16:
0xf7: {  	p0 =	sne.s32 s18, $0x7F;
	v6 =	vld [tilespmem:s16+$0xFFFFFFD0];
	v7 =	vadd.s32 s17, v5;
	_ =	sdelay $0x4  }
0xf8: {  	[tilespmem:v7+s9+$0x0] =	vst.idx.msk $0xffff, v6  }
0xf9: {  	v7 =	vadd.s32 s17, v4;
	v6 =	vld [tilespmem:s16+$0xFFFFFFE0];
	_ =	sdelay $0x4  }
0xfa: {  	[tilespmem:v7+s9+$0x0] =	vst.idx.msk $0xffff, v6  }
0xfb: {  	v7 =	vadd.s32 s17, v3;
	v6 =	vld [tilespmem:s16+$0xFFFFFFF0];
	_ =	sdelay $0x4  }
0xfc: {  	[tilespmem:v7+s9+$0x0] =	vst.idx.msk $0xffff, v6  }
0xfd: {  	v7 =	vadd.s32 s17, v2;
	v6 =	vld [tilespmem:s16+$0x0];
	_ =	sdelay $0x4  }
0xfe: {  	[tilespmem:v7+s9+$0x0] =	vst.idx.msk $0xffff, v6  }
0xff: {  	v7 =	vadd.s32 s17, v1;
	v6 =	vld [tilespmem:s16+$0x10];
	_ =	sdelay $0x4  }
0x100: {  	[tilespmem:v7+s9+$0x0] =	vst.idx.msk $0xffff, v6  }
0x101: {  	v7 =	vadd.s32 s17, v0;
	v6 =	vld [tilespmem:s16+$0x20]  }
.Ltmp7:
0x102: {  	(pc) =	sbr.rel @p0 .LBB2_16-.Ltmp7, $2  }
0x103: {  	_ =	sdelay $0x2  }
0x104: {  	s17 =	sshll.u32 s18, $0x7;
	s18 =	sadd.s32 $0x1, s18;
	s16 =	sadd.s32 $0x80, s16;
	[tilespmem:v7+s9+$0x0] =	vst.idx.msk $0xffff, v6  }
0x105: {  	v6 =	vld [tilespmem:s16+$0xFFFFFFD0];
	v7 =	vadd.s32 s17, v5;
	_ =	sdelay $0x4  }
0x106: {  	[tilespmem:v7+s9+$0x0] =	vst.idx.msk $0xffff, v6  }
0x107: {  	v7 =	vadd.s32 s17, v4;
	v6 =	vld [tilespmem:s16+$0xFFFFFFE0];
	_ =	sdelay $0x4  }
0x108: {  	[tilespmem:v7+s9+$0x0] =	vst.idx.msk $0xffff, v6  }
0x109: {  	v7 =	vadd.s32 s17, v3;
	v6 =	vld [tilespmem:s16+$0xFFFFFFF0];
	_ =	sdelay $0x4  }
0x10a: {  	[tilespmem:v7+s9+$0x0] =	vst.idx.msk $0xffff, v6  }
0x10b: {  	v7 =	vadd.s32 s17, v2;
	v6 =	vld [tilespmem:s16+$0x0];
	_ =	sdelay $0x4  }
0x10c: {  	[tilespmem:v7+s9+$0x0] =	vst.idx.msk $0xffff, v6  }
0x10d: {  	v7 =	vadd.s32 s17, v1;
	v6 =	vld [tilespmem:s16+$0x10];
	_ =	sdelay $0x4  }
0x10e: {  	[tilespmem:v7+s9+$0x0] =	vst.idx.msk $0xffff, v6  }
0x10f: {  	v7 =	vadd.s32 s17, v0;
	v6 =	vld [tilespmem:s16+$0x20];
	_ =	sdelay $0x4  }
0x110: {  	s18 =	rddreg [dreg:$0xf];
	s16 =	simm.s32 $0x0;
	[tilespmem:v7+s9+$0x0] =	vst.idx.msk $0xffff, v6  }
0x111: {  	[hbm4b:s18+s16] =	stream.linear.scatter [tilespmem:s9], [sflag:$0x5], $0x4000, $0x38;
	[tilespmem:$0x18100] =	vst v63  }
0x112: {  	s18 =	rddreg [dreg:$0x10]  }
0x113: {  	[tilespmem:s4], [sflag:$0x2] =	stream.linear.gather [hbm4b:s18+s16], $0x4000, $0x38;
	[tilespmem:$0x18100] =	vst v63  }
0x114: {  	_ =	swait.ge [sflag:s10], $0x4000  }
0x115: {  	[sflag:s10] =	ssyncset.done $0x0  }
0x116: {  	[sflag:s10] =	ssyncadd.s32 $0xFFFFC000  }
0x117: {  	_ =	swait.ge [sflag:s14], $0x4000  }
0x118: {  	s17 =	simm.s32 $0x0;
	[sflag:s14] =	ssyncset.done $0x0  }
0x119: {  	s16 =	simm.s32 $0x8030;
	s18 =	simm.s32 $0x1;
	[sflag:s14] =	ssyncadd.s32 $0xFFFFC000  }
.LBB2_18:
0x11a: {  	p0 =	sne.s32 s18, $0x7F;
	v6 =	vld [tilespmem:s16+$0xFFFFFFD0];
	v7 =	vadd.s32 s17, v5;
	_ =	sdelay $0x4  }
0x11b: {  	[tilespmem:v7+s11+$0x0] =	vst.idx.msk $0xffff, v6  }
0x11c: {  	v7 =	vadd.s32 s17, v4;
	v6 =	vld [tilespmem:s16+$0xFFFFFFE0];
	_ =	sdelay $0x4  }
0x11d: {  	[tilespmem:v7+s11+$0x0] =	vst.idx.msk $0xffff, v6  }
0x11e: {  	v7 =	vadd.s32 s17, v3;
	v6 =	vld [tilespmem:s16+$0xFFFFFFF0];
	_ =	sdelay $0x4  }
0x11f: {  	[tilespmem:v7+s11+$0x0] =	vst.idx.msk $0xffff, v6  }
0x120: {  	v7 =	vadd.s32 s17, v2;
	v6 =	vld [tilespmem:s16+$0x0];
	_ =	sdelay $0x4  }
0x121: {  	[tilespmem:v7+s11+$0x0] =	vst.idx.msk $0xffff, v6  }
0x122: {  	v7 =	vadd.s32 s17, v1;
	v6 =	vld [tilespmem:s16+$0x10];
	_ =	sdelay $0x4  }
0x123: {  	[tilespmem:v7+s11+$0x0] =	vst.idx.msk $0xffff, v6  }
0x124: {  	v7 =	vadd.s32 s17, v0;
	v6 =	vld [tilespmem:s16+$0x20]  }
.Ltmp8:
0x125: {  	(pc) =	sbr.rel @p0 .LBB2_18-.Ltmp8, $2  }
0x126: {  	_ =	sdelay $0x2  }
0x127: {  	s17 =	sshll.u32 s18, $0x7;
	s18 =	sadd.s32 $0x1, s18;
	s16 =	sadd.s32 $0x80, s16;
	[tilespmem:v7+s11+$0x0] =	vst.idx.msk $0xffff, v6  }
0x128: {  	v6 =	vld [tilespmem:s16+$0xFFFFFFD0];
	v7 =	vadd.s32 s17, v5;
	_ =	sdelay $0x4  }
0x129: {  	[tilespmem:v7+s11+$0x0] =	vst.idx.msk $0xffff, v6  }
0x12a: {  	v7 =	vadd.s32 s17, v4;
	v6 =	vld [tilespmem:s16+$0xFFFFFFE0];
	_ =	sdelay $0x4  }
0x12b: {  	[tilespmem:v7+s11+$0x0] =	vst.idx.msk $0xffff, v6  }
0x12c: {  	v7 =	vadd.s32 s17, v3;
	v6 =	vld [tilespmem:s16+$0xFFFFFFF0];
	_ =	sdelay $0x4  }
0x12d: {  	[tilespmem:v7+s11+$0x0] =	vst.idx.msk $0xffff, v6  }
0x12e: {  	v7 =	vadd.s32 s17, v2;
	v6 =	vld [tilespmem:s16+$0x0];
	_ =	sdelay $0x4  }
0x12f: {  	[tilespmem:v7+s11+$0x0] =	vst.idx.msk $0xffff, v6  }
0x130: {  	v7 =	vadd.s32 s17, v1;
	v6 =	vld [tilespmem:s16+$0x10];
	_ =	sdelay $0x4  }
0x131: {  	[tilespmem:v7+s11+$0x0] =	vst.idx.msk $0xffff, v6  }
0x132: {  	v7 =	vadd.s32 s17, v0;
	v6 =	vld [tilespmem:s16+$0x20];
	_ =	sdelay $0x4  }
0x133: {  	s18 =	rddreg [dreg:$0x11];
	s16 =	simm.s32 $0x0;
	[tilespmem:v7+s11+$0x0] =	vst.idx.msk $0xffff, v6  }
0x134: {  	[hbm4b:s18+s16] =	stream.linear.scatter [tilespmem:s11], [sflag:$0x6], $0x4000, $0x38;
	[tilespmem:$0x18100] =	vst v63  }
0x135: {  	s18 =	rddreg [dreg:$0x12]  }
0x136: {  	[tilespmem:s5], [sflag:$0x3] =	stream.linear.gather [hbm4b:s18+s16], $0x4000, $0x38;
	[tilespmem:$0x18100] =	vst v63  }
0x137: {  	_ =	swait.ge [sflag:s6], $0x4000  }
0x138: {  	[sflag:s6] =	ssyncset.done $0x0  }
0x139: {  	[sflag:s6] =	ssyncadd.s32 $0xFFFFC000  }
0x13a: {  	_ =	swait.ge [sflag:s12], $0x4000  }
0x13b: {  	s17 =	simm.s32 $0x0;
	[sflag:s12] =	ssyncset.done $0x0  }
0x13c: {  	s16 =	simm.s32 $0x30;
	s18 =	simm.s32 $0x1;
	[sflag:s12] =	ssyncadd.s32 $0xFFFFC000  }
.LBB2_20:
0x13d: {  	p0 =	sne.s32 s18, $0x7F;
	v6 =	vld [tilespmem:s16+$0xFFFFFFD0];
	v7 =	vadd.s32 s17, v5;
	_ =	sdelay $0x4  }
0x13e: {  	[tilespmem:v7+s7+$0x0] =	vst.idx.msk $0xffff, v6  }
0x13f: {  	v7 =	vadd.s32 s17, v4;
	v6 =	vld [tilespmem:s16+$0xFFFFFFE0];
	_ =	sdelay $0x4  }
0x140: {  	[tilespmem:v7+s7+$0x0] =	vst.idx.msk $0xffff, v6  }
0x141: {  	v7 =	vadd.s32 s17, v3;
	v6 =	vld [tilespmem:s16+$0xFFFFFFF0];
	_ =	sdelay $0x4  }
0x142: {  	[tilespmem:v7+s7+$0x0] =	vst.idx.msk $0xffff, v6  }
0x143: {  	v7 =	vadd.s32 s17, v2;
	v6 =	vld [tilespmem:s16+$0x0];
	_ =	sdelay $0x4  }
0x144: {  	[tilespmem:v7+s7+$0x0] =	vst.idx.msk $0xffff, v6  }
0x145: {  	v7 =	vadd.s32 s17, v1;
	v6 =	vld [tilespmem:s16+$0x10];
	_ =	sdelay $0x4  }
0x146: {  	[tilespmem:v7+s7+$0x0] =	vst.idx.msk $0xffff, v6  }
0x147: {  	v7 =	vadd.s32 s17, v0;
	v6 =	vld [tilespmem:s16+$0x20]  }
.Ltmp9:
0x148: {  	(pc) =	sbr.rel @p0 .LBB2_20-.Ltmp9, $2  }
0x149: {  	_ =	sdelay $0x2  }
0x14a: {  	s17 =	sshll.u32 s18, $0x7;
	s18 =	sadd.s32 $0x1, s18;
	s16 =	sadd.s32 $0x80, s16;
	[tilespmem:v7+s7+$0x0] =	vst.idx.msk $0xffff, v6  }
0x14b: {  	v6 =	vld [tilespmem:s16+$0xFFFFFFD0];
	v7 =	vadd.s32 s17, v5;
	_ =	sdelay $0x4  }
0x14c: {  	[tilespmem:v7+s7+$0x0] =	vst.idx.msk $0xffff, v6  }
0x14d: {  	v7 =	vadd.s32 s17, v4;
	v6 =	vld [tilespmem:s16+$0xFFFFFFE0];
	_ =	sdelay $0x4  }
0x14e: {  	[tilespmem:v7+s7+$0x0] =	vst.idx.msk $0xffff, v6  }
0x14f: {  	v7 =	vadd.s32 s17, v3;
	v6 =	vld [tilespmem:s16+$0xFFFFFFF0];
	_ =	sdelay $0x4  }
0x150: {  	[tilespmem:v7+s7+$0x0] =	vst.idx.msk $0xffff, v6  }
0x151: {  	v7 =	vadd.s32 s17, v2;
	v6 =	vld [tilespmem:s16+$0x0];
	_ =	sdelay $0x4  }
0x152: {  	[tilespmem:v7+s7+$0x0] =	vst.idx.msk $0xffff, v6  }
0x153: {  	v7 =	vadd.s32 s17, v1;
	v6 =	vld [tilespmem:s16+$0x10];
	_ =	sdelay $0x4  }
0x154: {  	[tilespmem:v7+s7+$0x0] =	vst.idx.msk $0xffff, v6  }
0x155: {  	v7 =	vadd.s32 s17, v0;
	v6 =	vld [tilespmem:s16+$0x20];
	_ =	sdelay $0x4  }
0x156: {  	s18 =	rddreg [dreg:$0x13];
	s16 =	simm.s32 $0x0;
	[tilespmem:v7+s7+$0x0] =	vst.idx.msk $0xffff, v6  }
0x157: {  	[hbm4b:s18+s16] =	stream.linear.scatter [tilespmem:s7], [sflag:$0x4], $0x4000, $0x38;
	[tilespmem:$0x18100] =	vst v63  }
0x158: {  	s18 =	rddreg [dreg:$0x14]  }
0x159: {  	[tilespmem:s16], [sflag:$0x1] =	stream.linear.gather [hbm4b:s18+s16], $0x4000, $0x38;
	[tilespmem:$0x18100] =	vst v63  }
0x15a: {  	_ =	swait.ge [sflag:s8], $0x4000  }
0x15b: {  	[sflag:s8] =	ssyncset.done $0x0  }
0x15c: {  	[sflag:s8] =	ssyncadd.s32 $0xFFFFC000  }
0x15d: {  	_ =	swait.ge [sflag:s13], $0x4000  }
0x15e: {  	s17 =	simm.s32 $0x0;
	[sflag:s13] =	ssyncset.done $0x0  }
0x15f: {  	s16 =	simm.s32 $0x4030;
	s18 =	simm.s32 $0x1;
	[sflag:s13] =	ssyncadd.s32 $0xFFFFC000  }
.LBB2_22:
0x160: {  	p0 =	sne.s32 s18, $0x7F;
	v6 =	vld [tilespmem:s16+$0xFFFFFFD0];
	v7 =	vadd.s32 s17, v5;
	_ =	sdelay $0x4  }
0x161: {  	[tilespmem:v7+s9+$0x0] =	vst.idx.msk $0xffff, v6  }
0x162: {  	v7 =	vadd.s32 s17, v4;
	v6 =	vld [tilespmem:s16+$0xFFFFFFE0];
	_ =	sdelay $0x4  }
0x163: {  	[tilespmem:v7+s9+$0x0] =	vst.idx.msk $0xffff, v6  }
0x164: {  	v7 =	vadd.s32 s17, v3;
	v6 =	vld [tilespmem:s16+$0xFFFFFFF0];
	_ =	sdelay $0x4  }
0x165: {  	[tilespmem:v7+s9+$0x0] =	vst.idx.msk $0xffff, v6  }
0x166: {  	v7 =	vadd.s32 s17, v2;
	v6 =	vld [tilespmem:s16+$0x0];
	_ =	sdelay $0x4  }
0x167: {  	[tilespmem:v7+s9+$0x0] =	vst.idx.msk $0xffff, v6  }
0x168: {  	v7 =	vadd.s32 s17, v1;
	v6 =	vld [tilespmem:s16+$0x10];
	_ =	sdelay $0x4  }
0x169: {  	[tilespmem:v7+s9+$0x0] =	vst.idx.msk $0xffff, v6  }
0x16a: {  	v7 =	vadd.s32 s17, v0;
	v6 =	vld [tilespmem:s16+$0x20]  }
.Ltmp10:
0x16b: {  	(pc) =	sbr.rel @p0 .LBB2_22-.Ltmp10, $2  }
0x16c: {  	_ =	sdelay $0x2  }
0x16d: {  	s17 =	sshll.u32 s18, $0x7;
	s18 =	sadd.s32 $0x1, s18;
	s16 =	sadd.s32 $0x80, s16;
	[tilespmem:v7+s9+$0x0] =	vst.idx.msk $0xffff, v6  }
0x16e: {  	v6 =	vld [tilespmem:s16+$0xFFFFFFD0];
	v7 =	vadd.s32 s17, v5;
	_ =	sdelay $0x4  }
0x16f: {  	[tilespmem:v7+s9+$0x0] =	vst.idx.msk $0xffff, v6  }
0x170: {  	v7 =	vadd.s32 s17, v4;
	v6 =	vld [tilespmem:s16+$0xFFFFFFE0];
	_ =	sdelay $0x4  }
0x171: {  	[tilespmem:v7+s9+$0x0] =	vst.idx.msk $0xffff, v6  }
0x172: {  	v7 =	vadd.s32 s17, v3;
	v6 =	vld [tilespmem:s16+$0xFFFFFFF0];
	_ =	sdelay $0x4  }
0x173: {  	[tilespmem:v7+s9+$0x0] =	vst.idx.msk $0xffff, v6  }
0x174: {  	v7 =	vadd.s32 s17, v2;
	v6 =	vld [tilespmem:s16+$0x0];
	_ =	sdelay $0x4  }
0x175: {  	[tilespmem:v7+s9+$0x0] =	vst.idx.msk $0xffff, v6  }
0x176: {  	v7 =	vadd.s32 s17, v1;
	v6 =	vld [tilespmem:s16+$0x10];
	_ =	sdelay $0x4  }
0x177: {  	[tilespmem:v7+s9+$0x0] =	vst.idx.msk $0xffff, v6  }
0x178: {  	v7 =	vadd.s32 s17, v0;
	v6 =	vld [tilespmem:s16+$0x20];
	_ =	sdelay $0x4  }
0x179: {  	s18 =	simm.s32 $0x0;
	[tilespmem:v7+s9+$0x0] =	vst.idx.msk $0xffff, v6  }
0x17a: {  	[hbm4b:s19+s18] =	stream.linear.scatter [tilespmem:s9], [sflag:$0x5], $0x4000, $0x38;
	[tilespmem:$0x18100] =	vst v63  }
0x17b: {  	_ = 	snop  }
0x17c: {  	[tilespmem:s4], [sflag:$0x2] =	stream.linear.gather [hbm4b:s22+s18], $0x4000, $0x38;
	[tilespmem:$0x18100] =	vst v63  }
0x17d: {  	_ =	swait.ge [sflag:s10], $0x4000  }
0x17e: {  	[sflag:s10] =	ssyncset.done $0x0  }
0x17f: {  	[sflag:s10] =	ssyncadd.s32 $0xFFFFC000  }
0x180: {  	_ =	swait.ge [sflag:s14], $0x4000  }
0x181: {  	s17 =	simm.s32 $0x0;
	[sflag:s14] =	ssyncset.done $0x0  }
0x182: {  	s16 =	simm.s32 $0x8030;
	s18 =	simm.s32 $0x1;
	[sflag:s14] =	ssyncadd.s32 $0xFFFFC000  }
.LBB2_24:
0x183: {  	p0 =	sne.s32 s18, $0x7F;
	v6 =	vld [tilespmem:s16+$0xFFFFFFD0];
	v7 =	vadd.s32 s17, v5;
	_ =	sdelay $0x4  }
0x184: {  	[tilespmem:v7+s11+$0x0] =	vst.idx.msk $0xffff, v6  }
0x185: {  	v7 =	vadd.s32 s17, v4;
	v6 =	vld [tilespmem:s16+$0xFFFFFFE0];
	_ =	sdelay $0x4  }
0x186: {  	[tilespmem:v7+s11+$0x0] =	vst.idx.msk $0xffff, v6  }
0x187: {  	v7 =	vadd.s32 s17, v3;
	v6 =	vld [tilespmem:s16+$0xFFFFFFF0];
	_ =	sdelay $0x4  }
0x188: {  	[tilespmem:v7+s11+$0x0] =	vst.idx.msk $0xffff, v6  }
0x189: {  	v7 =	vadd.s32 s17, v2;
	v6 =	vld [tilespmem:s16+$0x0];
	_ =	sdelay $0x4  }
0x18a: {  	[tilespmem:v7+s11+$0x0] =	vst.idx.msk $0xffff, v6  }
0x18b: {  	v7 =	vadd.s32 s17, v1;
	v6 =	vld [tilespmem:s16+$0x10];
	_ =	sdelay $0x4  }
0x18c: {  	[tilespmem:v7+s11+$0x0] =	vst.idx.msk $0xffff, v6  }
0x18d: {  	v7 =	vadd.s32 s17, v0;
	v6 =	vld [tilespmem:s16+$0x20]  }
.Ltmp11:
0x18e: {  	(pc) =	sbr.rel @p0 .LBB2_24-.Ltmp11, $2  }
0x18f: {  	_ =	sdelay $0x2  }
0x190: {  	s17 =	sshll.u32 s18, $0x7;
	s18 =	sadd.s32 $0x1, s18;
	s16 =	sadd.s32 $0x80, s16;
	[tilespmem:v7+s11+$0x0] =	vst.idx.msk $0xffff, v6  }
0x191: {  	v6 =	vld [tilespmem:s16+$0xFFFFFFD0];
	v7 =	vadd.s32 s17, v5;
	_ =	sdelay $0x4  }
0x192: {  	[tilespmem:v7+s11+$0x0] =	vst.idx.msk $0xffff, v6  }
0x193: {  	v7 =	vadd.s32 s17, v4;
	v6 =	vld [tilespmem:s16+$0xFFFFFFE0];
	_ =	sdelay $0x4  }
0x194: {  	[tilespmem:v7+s11+$0x0] =	vst.idx.msk $0xffff, v6  }
0x195: {  	v7 =	vadd.s32 s17, v3;
	v6 =	vld [tilespmem:s16+$0xFFFFFFF0];
	_ =	sdelay $0x4  }
0x196: {  	[tilespmem:v7+s11+$0x0] =	vst.idx.msk $0xffff, v6  }
0x197: {  	v7 =	vadd.s32 s17, v2;
	v6 =	vld [tilespmem:s16+$0x0];
	_ =	sdelay $0x4  }
0x198: {  	[tilespmem:v7+s11+$0x0] =	vst.idx.msk $0xffff, v6  }
0x199: {  	v7 =	vadd.s32 s17, v1;
	v6 =	vld [tilespmem:s16+$0x10];
	_ =	sdelay $0x4  }
0x19a: {  	[tilespmem:v7+s11+$0x0] =	vst.idx.msk $0xffff, v6  }
0x19b: {  	v7 =	vadd.s32 s17, v0;
	v6 =	vld [tilespmem:s16+$0x20];
	_ =	sdelay $0x4  }
0x19c: {  	s18 =	simm.s32 $0x0;
	[tilespmem:v7+s11+$0x0] =	vst.idx.msk $0xffff, v6  }
0x19d: {  	[hbm4b:s20+s18] =	stream.linear.scatter [tilespmem:s11], [sflag:$0x6], $0x4000, $0x38;
	[tilespmem:$0x18100] =	vst v63  }
0x19e: {  	_ = 	snop  }
0x19f: {  	[tilespmem:s5], [sflag:$0x3] =	stream.linear.gather [hbm4b:s24+s18], $0x4000, $0x38;
	[tilespmem:$0x18100] =	vst v63  }
0x1a0: {  	_ =	swait.ge [sflag:s6], $0x4000  }
0x1a1: {  	[sflag:s6] =	ssyncset.done $0x0  }
0x1a2: {  	[sflag:s6] =	ssyncadd.s32 $0xFFFFC000  }
0x1a3: {  	_ =	swait.ge [sflag:s12], $0x4000  }
0x1a4: {  	s17 =	simm.s32 $0x0;
	[sflag:s12] =	ssyncset.done $0x0  }
0x1a5: {  	s16 =	simm.s32 $0x30;
	s18 =	simm.s32 $0x1;
	[sflag:s12] =	ssyncadd.s32 $0xFFFFC000  }
.LBB2_26:
0x1a6: {  	p0 =	sne.s32 s18, $0x7F;
	v6 =	vld [tilespmem:s16+$0xFFFFFFD0];
	v7 =	vadd.s32 s17, v5;
	_ =	sdelay $0x4  }
0x1a7: {  	[tilespmem:v7+s7+$0x0] =	vst.idx.msk $0xffff, v6  }
0x1a8: {  	v7 =	vadd.s32 s17, v4;
	v6 =	vld [tilespmem:s16+$0xFFFFFFE0];
	_ =	sdelay $0x4  }
0x1a9: {  	[tilespmem:v7+s7+$0x0] =	vst.idx.msk $0xffff, v6  }
0x1aa: {  	v7 =	vadd.s32 s17, v3;
	v6 =	vld [tilespmem:s16+$0xFFFFFFF0];
	_ =	sdelay $0x4  }
0x1ab: {  	[tilespmem:v7+s7+$0x0] =	vst.idx.msk $0xffff, v6  }
0x1ac: {  	v7 =	vadd.s32 s17, v2;
	v6 =	vld [tilespmem:s16+$0x0];
	_ =	sdelay $0x4  }
0x1ad: {  	[tilespmem:v7+s7+$0x0] =	vst.idx.msk $0xffff, v6  }
0x1ae: {  	v7 =	vadd.s32 s17, v1;
	v6 =	vld [tilespmem:s16+$0x10];
	_ =	sdelay $0x4  }
0x1af: {  	[tilespmem:v7+s7+$0x0] =	vst.idx.msk $0xffff, v6  }
0x1b0: {  	v7 =	vadd.s32 s17, v0;
	v6 =	vld [tilespmem:s16+$0x20]  }
.Ltmp12:
0x1b1: {  	(pc) =	sbr.rel @p0 .LBB2_26-.Ltmp12, $2  }
0x1b2: {  	_ =	sdelay $0x2  }
0x1b3: {  	s17 =	sshll.u32 s18, $0x7;
	s18 =	sadd.s32 $0x1, s18;
	s16 =	sadd.s32 $0x80, s16;
	[tilespmem:v7+s7+$0x0] =	vst.idx.msk $0xffff, v6  }
0x1b4: {  	v6 =	vld [tilespmem:s16+$0xFFFFFFD0];
	v7 =	vadd.s32 s17, v5;
	_ =	sdelay $0x4  }
0x1b5: {  	[tilespmem:v7+s7+$0x0] =	vst.idx.msk $0xffff, v6  }
0x1b6: {  	v7 =	vadd.s32 s17, v4;
	v6 =	vld [tilespmem:s16+$0xFFFFFFE0];
	_ =	sdelay $0x4  }
0x1b7: {  	[tilespmem:v7+s7+$0x0] =	vst.idx.msk $0xffff, v6  }
0x1b8: {  	v7 =	vadd.s32 s17, v3;
	v6 =	vld [tilespmem:s16+$0xFFFFFFF0];
	_ =	sdelay $0x4  }
0x1b9: {  	[tilespmem:v7+s7+$0x0] =	vst.idx.msk $0xffff, v6  }
0x1ba: {  	v7 =	vadd.s32 s17, v2;
	v6 =	vld [tilespmem:s16+$0x0];
	_ =	sdelay $0x4  }
0x1bb: {  	[tilespmem:v7+s7+$0x0] =	vst.idx.msk $0xffff, v6  }
0x1bc: {  	v7 =	vadd.s32 s17, v1;
	v6 =	vld [tilespmem:s16+$0x10];
	_ =	sdelay $0x4  }
0x1bd: {  	[tilespmem:v7+s7+$0x0] =	vst.idx.msk $0xffff, v6  }
0x1be: {  	v7 =	vadd.s32 s17, v0;
	v6 =	vld [tilespmem:s16+$0x20];
	_ =	sdelay $0x4  }
0x1bf: {  	s18 =	simm.s32 $0x0;
	[tilespmem:v7+s7+$0x0] =	vst.idx.msk $0xffff, v6  }
0x1c0: {  	[hbm4b:s21+s18] =	stream.linear.scatter [tilespmem:s7], [sflag:$0x4], $0x4000, $0x38;
	[tilespmem:$0x18100] =	vst v63  }
0x1c1: {  	_ = 	snop  }
0x1c2: {  	[tilespmem:s18], [sflag:$0x1] =	stream.linear.gather [hbm4b:s29+s18], $0x4000, $0x38;
	[tilespmem:$0x18100] =	vst v63  }
0x1c3: {  	_ =	swait.ge [sflag:s8], $0x4000  }
0x1c4: {  	[sflag:s8] =	ssyncset.done $0x0  }
0x1c5: {  	[sflag:s8] =	ssyncadd.s32 $0xFFFFC000  }
0x1c6: {  	_ =	swait.ge [sflag:s13], $0x4000  }
0x1c7: {  	s17 =	simm.s32 $0x0;
	[sflag:s13] =	ssyncset.done $0x0  }
0x1c8: {  	s16 =	simm.s32 $0x4030;
	s18 =	simm.s32 $0x1;
	[sflag:s13] =	ssyncadd.s32 $0xFFFFC000  }
.LBB2_28:
0x1c9: {  	p0 =	sne.s32 s18, $0x7F;
	v6 =	vld [tilespmem:s16+$0xFFFFFFD0];
	v7 =	vadd.s32 s17, v5;
	_ =	sdelay $0x4  }
0x1ca: {  	[tilespmem:v7+s9+$0x0] =	vst.idx.msk $0xffff, v6  }
0x1cb: {  	v7 =	vadd.s32 s17, v4;
	v6 =	vld [tilespmem:s16+$0xFFFFFFE0];
	_ =	sdelay $0x4  }
0x1cc: {  	[tilespmem:v7+s9+$0x0] =	vst.idx.msk $0xffff, v6  }
0x1cd: {  	v7 =	vadd.s32 s17, v3;
	v6 =	vld [tilespmem:s16+$0xFFFFFFF0];
	_ =	sdelay $0x4  }
0x1ce: {  	[tilespmem:v7+s9+$0x0] =	vst.idx.msk $0xffff, v6  }
0x1cf: {  	v7 =	vadd.s32 s17, v2;
	v6 =	vld [tilespmem:s16+$0x0];
	_ =	sdelay $0x4  }
0x1d0: {  	[tilespmem:v7+s9+$0x0] =	vst.idx.msk $0xffff, v6  }
0x1d1: {  	v7 =	vadd.s32 s17, v1;
	v6 =	vld [tilespmem:s16+$0x10];
	_ =	sdelay $0x4  }
0x1d2: {  	[tilespmem:v7+s9+$0x0] =	vst.idx.msk $0xffff, v6  }
0x1d3: {  	v7 =	vadd.s32 s17, v0;
	v6 =	vld [tilespmem:s16+$0x20]  }
.Ltmp13:
0x1d4: {  	(pc) =	sbr.rel @p0 .LBB2_28-.Ltmp13, $2  }
0x1d5: {  	_ =	sdelay $0x2  }
0x1d6: {  	s17 =	sshll.u32 s18, $0x7;
	s18 =	sadd.s32 $0x1, s18;
	s16 =	sadd.s32 $0x80, s16;
	[tilespmem:v7+s9+$0x0] =	vst.idx.msk $0xffff, v6  }
0x1d7: {  	v6 =	vld [tilespmem:s16+$0xFFFFFFD0];
	v7 =	vadd.s32 s17, v5;
	_ =	sdelay $0x4  }
0x1d8: {  	[tilespmem:v7+s9+$0x0] =	vst.idx.msk $0xffff, v6  }
0x1d9: {  	v7 =	vadd.s32 s17, v4;
	v6 =	vld [tilespmem:s16+$0xFFFFFFE0];
	_ =	sdelay $0x4  }
0x1da: {  	[tilespmem:v7+s9+$0x0] =	vst.idx.msk $0xffff, v6  }
0x1db: {  	v7 =	vadd.s32 s17, v3;
	v6 =	vld [tilespmem:s16+$0xFFFFFFF0];
	_ =	sdelay $0x4  }
0x1dc: {  	[tilespmem:v7+s9+$0x0] =	vst.idx.msk $0xffff, v6  }
0x1dd: {  	v7 =	vadd.s32 s17, v2;
	v6 =	vld [tilespmem:s16+$0x0];
	_ =	sdelay $0x4  }
0x1de: {  	[tilespmem:v7+s9+$0x0] =	vst.idx.msk $0xffff, v6  }
0x1df: {  	v7 =	vadd.s32 s17, v1;
	v6 =	vld [tilespmem:s16+$0x10];
	_ =	sdelay $0x4  }
0x1e0: {  	[tilespmem:v7+s9+$0x0] =	vst.idx.msk $0xffff, v6  }
0x1e1: {  	v7 =	vadd.s32 s17, v0;
	v6 =	vld [tilespmem:s16+$0x20];
	_ =	sdelay $0x4  }
0x1e2: {  	s18 =	simm.s32 $0x0;
	[tilespmem:v7+s9+$0x0] =	vst.idx.msk $0xffff, v6  }
0x1e3: {  	[hbm4b:s23+s18] =	stream.linear.scatter [tilespmem:s9], [sflag:$0x5], $0x4000, $0x38;
	[tilespmem:$0x18100] =	vst v63  }
0x1e4: {  	_ = 	snop  }
0x1e5: {  	[tilespmem:s4], [sflag:$0x2] =	stream.linear.gather [hbm4b:s30+s18], $0x4000, $0x38;
	[tilespmem:$0x18100] =	vst v63  }
0x1e6: {  	_ =	swait.ge [sflag:s10], $0x4000  }
0x1e7: {  	[sflag:s10] =	ssyncset.done $0x0  }
0x1e8: {  	[sflag:s10] =	ssyncadd.s32 $0xFFFFC000  }
0x1e9: {  	_ =	swait.ge [sflag:s14], $0x4000  }
0x1ea: {  	s17 =	simm.s32 $0x0;
	[sflag:s14] =	ssyncset.done $0x0  }
0x1eb: {  	s16 =	simm.s32 $0x8030;
	s18 =	simm.s32 $0x1;
	[sflag:s14] =	ssyncadd.s32 $0xFFFFC000  }
.LBB2_30:
0x1ec: {  	p0 =	sne.s32 s18, $0x7F;
	v6 =	vld [tilespmem:s16+$0xFFFFFFD0];
	v7 =	vadd.s32 s17, v5;
	_ =	sdelay $0x4  }
0x1ed: {  	[tilespmem:v7+s11+$0x0] =	vst.idx.msk $0xffff, v6  }
0x1ee: {  	v7 =	vadd.s32 s17, v4;
	v6 =	vld [tilespmem:s16+$0xFFFFFFE0];
	_ =	sdelay $0x4  }
0x1ef: {  	[tilespmem:v7+s11+$0x0] =	vst.idx.msk $0xffff, v6  }
0x1f0: {  	v7 =	vadd.s32 s17, v3;
	v6 =	vld [tilespmem:s16+$0xFFFFFFF0];
	_ =	sdelay $0x4  }
0x1f1: {  	[tilespmem:v7+s11+$0x0] =	vst.idx.msk $0xffff, v6  }
0x1f2: {  	v7 =	vadd.s32 s17, v2;
	v6 =	vld [tilespmem:s16+$0x0];
	_ =	sdelay $0x4  }
0x1f3: {  	[tilespmem:v7+s11+$0x0] =	vst.idx.msk $0xffff, v6  }
0x1f4: {  	v7 =	vadd.s32 s17, v1;
	v6 =	vld [tilespmem:s16+$0x10];
	_ =	sdelay $0x4  }
0x1f5: {  	[tilespmem:v7+s11+$0x0] =	vst.idx.msk $0xffff, v6  }
0x1f6: {  	v7 =	vadd.s32 s17, v0;
	v6 =	vld [tilespmem:s16+$0x20]  }
.Ltmp14:
0x1f7: {  	(pc) =	sbr.rel @p0 .LBB2_30-.Ltmp14, $2  }
0x1f8: {  	_ =	sdelay $0x2  }
0x1f9: {  	s17 =	sshll.u32 s18, $0x7;
	s18 =	sadd.s32 $0x1, s18;
	s16 =	sadd.s32 $0x80, s16;
	[tilespmem:v7+s11+$0x0] =	vst.idx.msk $0xffff, v6  }
0x1fa: {  	v6 =	vld [tilespmem:s16+$0xFFFFFFD0];
	v7 =	vadd.s32 s17, v5;
	_ =	sdelay $0x4  }
0x1fb: {  	[tilespmem:v7+s11+$0x0] =	vst.idx.msk $0xffff, v6  }
0x1fc: {  	v7 =	vadd.s32 s17, v4;
	v6 =	vld [tilespmem:s16+$0xFFFFFFE0];
	_ =	sdelay $0x4  }
0x1fd: {  	[tilespmem:v7+s11+$0x0] =	vst.idx.msk $0xffff, v6  }
0x1fe: {  	v7 =	vadd.s32 s17, v3;
	v6 =	vld [tilespmem:s16+$0xFFFFFFF0];
	_ =	sdelay $0x4  }
0x1ff: {  	[tilespmem:v7+s11+$0x0] =	vst.idx.msk $0xffff, v6  }
0x200: {  	v7 =	vadd.s32 s17, v2;
	v6 =	vld [tilespmem:s16+$0x0];
	_ =	sdelay $0x4  }
0x201: {  	[tilespmem:v7+s11+$0x0] =	vst.idx.msk $0xffff, v6  }
0x202: {  	v7 =	vadd.s32 s17, v1;
	v6 =	vld [tilespmem:s16+$0x10];
	_ =	sdelay $0x4  }
0x203: {  	[tilespmem:v7+s11+$0x0] =	vst.idx.msk $0xffff, v6  }
0x204: {  	v7 =	vadd.s32 s17, v0;
	v6 =	vld [tilespmem:s16+$0x20];
	_ =	sdelay $0x4  }
0x205: {  	s18 =	simm.s32 $0x0;
	[tilespmem:v7+s11+$0x0] =	vst.idx.msk $0xffff, v6  }
0x206: {  	[hbm4b:s25+s18] =	stream.linear.scatter [tilespmem:s11], [sflag:$0x6], $0x4000, $0x38;
	[tilespmem:$0x18100] =	vst v63  }
0x207: {  	_ = 	snop  }
0x208: {  	[tilespmem:s5], [sflag:$0x3] =	stream.linear.gather [hbm4b:s31+s18], $0x4000, $0x38;
	[tilespmem:$0x18100] =	vst v63  }
0x209: {  	_ =	swait.ge [sflag:s6], $0x4000  }
0x20a: {  	[sflag:s6] =	ssyncset.done $0x0  }
0x20b: {  	[sflag:s6] =	ssyncadd.s32 $0xFFFFC000  }
0x20c: {  	_ =	swait.ge [sflag:s12], $0x4000  }
0x20d: {  	s17 =	simm.s32 $0x0;
	[sflag:s12] =	ssyncset.done $0x0  }
0x20e: {  	s16 =	simm.s32 $0x30;
	s18 =	simm.s32 $0x1;
	[sflag:s12] =	ssyncadd.s32 $0xFFFFC000  }
.LBB2_32:
0x20f: {  	p0 =	sne.s32 s18, $0x7F;
	v6 =	vld [tilespmem:s16+$0xFFFFFFD0];
	v7 =	vadd.s32 s17, v5;
	_ =	sdelay $0x4  }
0x210: {  	[tilespmem:v7+s7+$0x0] =	vst.idx.msk $0xffff, v6  }
0x211: {  	v7 =	vadd.s32 s17, v4;
	v6 =	vld [tilespmem:s16+$0xFFFFFFE0];
	_ =	sdelay $0x4  }
0x212: {  	[tilespmem:v7+s7+$0x0] =	vst.idx.msk $0xffff, v6  }
0x213: {  	v7 =	vadd.s32 s17, v3;
	v6 =	vld [tilespmem:s16+$0xFFFFFFF0];
	_ =	sdelay $0x4  }
0x214: {  	[tilespmem:v7+s7+$0x0] =	vst.idx.msk $0xffff, v6  }
0x215: {  	v7 =	vadd.s32 s17, v2;
	v6 =	vld [tilespmem:s16+$0x0];
	_ =	sdelay $0x4  }
0x216: {  	[tilespmem:v7+s7+$0x0] =	vst.idx.msk $0xffff, v6  }
0x217: {  	v7 =	vadd.s32 s17, v1;
	v6 =	vld [tilespmem:s16+$0x10];
	_ =	sdelay $0x4  }
0x218: {  	[tilespmem:v7+s7+$0x0] =	vst.idx.msk $0xffff, v6  }
0x219: {  	v7 =	vadd.s32 s17, v0;
	v6 =	vld [tilespmem:s16+$0x20]  }
.Ltmp15:
0x21a: {  	(pc) =	sbr.rel @p0 .LBB2_32-.Ltmp15, $2  }
0x21b: {  	_ =	sdelay $0x2  }
0x21c: {  	s17 =	sshll.u32 s18, $0x7;
	s18 =	sadd.s32 $0x1, s18;
	s16 =	sadd.s32 $0x80, s16;
	[tilespmem:v7+s7+$0x0] =	vst.idx.msk $0xffff, v6  }
0x21d: {  	v6 =	vld [tilespmem:s16+$0xFFFFFFD0];
	v7 =	vadd.s32 s17, v5;
	_ =	sdelay $0x4  }
0x21e: {  	[tilespmem:v7+s7+$0x0] =	vst.idx.msk $0xffff, v6  }
0x21f: {  	v7 =	vadd.s32 s17, v4;
	v6 =	vld [tilespmem:s16+$0xFFFFFFE0];
	_ =	sdelay $0x4  }
0x220: {  	[tilespmem:v7+s7+$0x0] =	vst.idx.msk $0xffff, v6  }
0x221: {  	v7 =	vadd.s32 s17, v3;
	v6 =	vld [tilespmem:s16+$0xFFFFFFF0];
	_ =	sdelay $0x4  }
0x222: {  	[tilespmem:v7+s7+$0x0] =	vst.idx.msk $0xffff, v6  }
0x223: {  	v7 =	vadd.s32 s17, v2;
	v6 =	vld [tilespmem:s16+$0x0];
	_ =	sdelay $0x4  }
0x224: {  	[tilespmem:v7+s7+$0x0] =	vst.idx.msk $0xffff, v6  }
0x225: {  	v7 =	vadd.s32 s17, v1;
	v6 =	vld [tilespmem:s16+$0x10];
	_ =	sdelay $0x4  }
0x226: {  	[tilespmem:v7+s7+$0x0] =	vst.idx.msk $0xffff, v6  }
0x227: {  	v7 =	vadd.s32 s17, v0;
	v6 =	vld [tilespmem:s16+$0x20];
	_ =	sdelay $0x4  }
0x228: {  	s18 =	simm.s32 $0x0;
	[tilespmem:v7+s7+$0x0] =	vst.idx.msk $0xffff, v6  }
0x229: {  	[hbm4b:s0+s18] =	stream.linear.scatter [tilespmem:s7], [sflag:$0x4], $0x4000, $0x38;
	[tilespmem:$0x18100] =	vst v63  }
0x22a: {  	_ =	swait.ge [sflag:s8], $0x4000  }
0x22b: {  	[sflag:s8] =	ssyncset.done $0x0  }
0x22c: {  	[sflag:s8] =	ssyncadd.s32 $0xFFFFC000  }
0x22d: {  	_ =	swait.ge [sflag:s13], $0x4000  }
0x22e: {  	s17 =	simm.s32 $0x0;
	[sflag:s13] =	ssyncset.done $0x0  }
0x22f: {  	s16 =	simm.s32 $0x4030;
	s18 =	simm.s32 $0x1;
	[sflag:s13] =	ssyncadd.s32 $0xFFFFC000  }
.LBB2_34:
0x230: {  	p0 =	sne.s32 s18, $0x7F;
	v6 =	vld [tilespmem:s16+$0xFFFFFFD0];
	v7 =	vadd.s32 s17, v5;
	_ =	sdelay $0x4  }
0x231: {  	[tilespmem:v7+s9+$0x0] =	vst.idx.msk $0xffff, v6  }
0x232: {  	v7 =	vadd.s32 s17, v4;
	v6 =	vld [tilespmem:s16+$0xFFFFFFE0];
	_ =	sdelay $0x4  }
0x233: {  	[tilespmem:v7+s9+$0x0] =	vst.idx.msk $0xffff, v6  }
0x234: {  	v7 =	vadd.s32 s17, v3;
	v6 =	vld [tilespmem:s16+$0xFFFFFFF0];
	_ =	sdelay $0x4  }
0x235: {  	[tilespmem:v7+s9+$0x0] =	vst.idx.msk $0xffff, v6  }
0x236: {  	v7 =	vadd.s32 s17, v2;
	v6 =	vld [tilespmem:s16+$0x0];
	_ =	sdelay $0x4  }
0x237: {  	[tilespmem:v7+s9+$0x0] =	vst.idx.msk $0xffff, v6  }
0x238: {  	v7 =	vadd.s32 s17, v1;
	v6 =	vld [tilespmem:s16+$0x10];
	_ =	sdelay $0x4  }
0x239: {  	[tilespmem:v7+s9+$0x0] =	vst.idx.msk $0xffff, v6  }
0x23a: {  	v7 =	vadd.s32 s17, v0;
	v6 =	vld [tilespmem:s16+$0x20]  }
.Ltmp16:
0x23b: {  	(pc) =	sbr.rel @p0 .LBB2_34-.Ltmp16, $2  }
0x23c: {  	_ =	sdelay $0x2  }
0x23d: {  	s17 =	sshll.u32 s18, $0x7;
	s18 =	sadd.s32 $0x1, s18;
	s16 =	sadd.s32 $0x80, s16;
	[tilespmem:v7+s9+$0x0] =	vst.idx.msk $0xffff, v6  }
0x23e: {  	v6 =	vld [tilespmem:s16+$0xFFFFFFD0];
	v7 =	vadd.s32 s17, v5;
	_ =	sdelay $0x4  }
0x23f: {  	[tilespmem:v7+s9+$0x0] =	vst.idx.msk $0xffff, v6  }
0x240: {  	v7 =	vadd.s32 s17, v4;
	v6 =	vld [tilespmem:s16+$0xFFFFFFE0];
	_ =	sdelay $0x4  }
0x241: {  	[tilespmem:v7+s9+$0x0] =	vst.idx.msk $0xffff, v6  }
0x242: {  	v7 =	vadd.s32 s17, v3;
	v6 =	vld [tilespmem:s16+$0xFFFFFFF0];
	_ =	sdelay $0x4  }
0x243: {  	[tilespmem:v7+s9+$0x0] =	vst.idx.msk $0xffff, v6  }
0x244: {  	v7 =	vadd.s32 s17, v2;
	v6 =	vld [tilespmem:s16+$0x0];
	_ =	sdelay $0x4  }
0x245: {  	[tilespmem:v7+s9+$0x0] =	vst.idx.msk $0xffff, v6  }
0x246: {  	v7 =	vadd.s32 s17, v1;
	v6 =	vld [tilespmem:s16+$0x10];
	_ =	sdelay $0x4  }
0x247: {  	[tilespmem:v7+s9+$0x0] =	vst.idx.msk $0xffff, v6  }
0x248: {  	v7 =	vadd.s32 s17, v0;
	v6 =	vld [tilespmem:s16+$0x20];
	_ =	sdelay $0x4  }
0x249: {  	s18 =	simm.s32 $0x0;
	[tilespmem:v7+s9+$0x0] =	vst.idx.msk $0xffff, v6  }
0x24a: {  	[hbm4b:s26+s18] =	stream.linear.scatter [tilespmem:s9], [sflag:$0x5], $0x4000, $0x38;
	[tilespmem:$0x18100] =	vst v63  }
0x24b: {  	_ =	swait.ge [sflag:s10], $0x4000  }
0x24c: {  	[sflag:s10] =	ssyncset.done $0x0  }
0x24d: {  	[sflag:s10] =	ssyncadd.s32 $0xFFFFC000  }
0x24e: {  	_ =	swait.ge [sflag:s14], $0x4000  }
0x24f: {  	s17 =	simm.s32 $0x0;
	[sflag:s14] =	ssyncset.done $0x0  }
0x250: {  	s16 =	simm.s32 $0x8030;
	s18 =	simm.s32 $0x1;
	[sflag:s14] =	ssyncadd.s32 $0xFFFFC000  }
.LBB2_36:
0x251: {  	p0 =	sne.s32 s18, $0x7F;
	v6 =	vld [tilespmem:s16+$0xFFFFFFD0];
	v7 =	vadd.s32 s17, v5;
	_ =	sdelay $0x4  }
0x252: {  	[tilespmem:v7+s11+$0x0] =	vst.idx.msk $0xffff, v6  }
0x253: {  	v7 =	vadd.s32 s17, v4;
	v6 =	vld [tilespmem:s16+$0xFFFFFFE0];
	_ =	sdelay $0x4  }
0x254: {  	[tilespmem:v7+s11+$0x0] =	vst.idx.msk $0xffff, v6  }
0x255: {  	v7 =	vadd.s32 s17, v3;
	v6 =	vld [tilespmem:s16+$0xFFFFFFF0];
	_ =	sdelay $0x4  }
0x256: {  	[tilespmem:v7+s11+$0x0] =	vst.idx.msk $0xffff, v6  }
0x257: {  	v7 =	vadd.s32 s17, v2;
	v6 =	vld [tilespmem:s16+$0x0];
	_ =	sdelay $0x4  }
0x258: {  	[tilespmem:v7+s11+$0x0] =	vst.idx.msk $0xffff, v6  }
0x259: {  	v7 =	vadd.s32 s17, v1;
	v6 =	vld [tilespmem:s16+$0x10];
	_ =	sdelay $0x4  }
0x25a: {  	[tilespmem:v7+s11+$0x0] =	vst.idx.msk $0xffff, v6  }
0x25b: {  	v7 =	vadd.s32 s17, v0;
	v6 =	vld [tilespmem:s16+$0x20]  }
.Ltmp17:
0x25c: {  	(pc) =	sbr.rel @p0 .LBB2_36-.Ltmp17, $2  }
0x25d: {  	_ =	sdelay $0x2  }
0x25e: {  	s17 =	sshll.u32 s18, $0x7;
	s18 =	sadd.s32 $0x1, s18;
	s16 =	sadd.s32 $0x80, s16;
	[tilespmem:v7+s11+$0x0] =	vst.idx.msk $0xffff, v6  }
0x25f: {  	v6 =	vld [tilespmem:s16+$0xFFFFFFD0];
	v5 =	vadd.s32 s17, v5;
	_ =	sdelay $0x4  }
0x260: {  	[tilespmem:v5+s11+$0x0] =	vst.idx.msk $0xffff, v6  }
0x261: {  	v4 =	vadd.s32 s17, v4;
	v5 =	vld [tilespmem:s16+$0xFFFFFFE0];
	_ =	sdelay $0x4  }
0x262: {  	[tilespmem:v4+s11+$0x0] =	vst.idx.msk $0xffff, v5  }
0x263: {  	v3 =	vadd.s32 s17, v3;
	v4 =	vld [tilespmem:s16+$0xFFFFFFF0];
	_ =	sdelay $0x4  }
0x264: {  	[tilespmem:v3+s11+$0x0] =	vst.idx.msk $0xffff, v4  }
0x265: {  	v2 =	vadd.s32 s17, v2;
	v3 =	vld [tilespmem:s16+$0x0];
	_ =	sdelay $0x4  }
0x266: {  	[tilespmem:v2+s11+$0x0] =	vst.idx.msk $0xffff, v3  }
0x267: {  	v1 =	vadd.s32 s17, v1;
	v2 =	vld [tilespmem:s16+$0x10];
	_ =	sdelay $0x4  }
0x268: {  	[tilespmem:v1+s11+$0x0] =	vst.idx.msk $0xffff, v2  }
0x269: {  	v0 =	vadd.s32 s17, v0;
	v1 =	vld [tilespmem:s16+$0x20];
	_ =	sdelay $0x4  }
0x26a: {  	[tilespmem:v0+s11+$0x0] =	vst.idx.msk $0xffff, v1  }
0x26b: {  	[hbm4b:s28+s1] =	stream.linear.scatter [tilespmem:s11], [sflag:$0x6], $0x4000, $0x38;
	[tilespmem:$0x18100] =	vst v63  }
0x26c: {  	_ =	swait.ge [sflag:s12], $0x4000  }
0x26d: {  	[sflag:s12] =	ssyncset.done $0x0  }
0x26e: {  	s15 =	sadd.s32 $0x1, s15;
	[sflag:s12] =	ssyncadd.s32 $0xFFFFC000  }
0x26f: {  	p0 =	sne.s32 s15, s2;
	_ =	swait.ge [sflag:s13], $0x4000  }
.Ltmp18:
0x270: {  	[sflag:s13] =	ssyncset.done $0x0;
	(pc) =	sbr.rel @p0 .LBB2_1-.Ltmp18, $4  }
0x271: {  	[sflag:s13] =	ssyncadd.s32 $0xFFFFC000  }
0x272: {  	_ =	swait.ge [sflag:s14], $0x4000  }
0x273: {  	[sflag:s14] =	ssyncset.done $0x0  }
0x274: {  	[sflag:s14] =	ssyncadd.s32 $0xFFFFC000  }
0x275: {  	_ =	sfence.sel $0x180000  }
0x276: {  	[bflag:$0x0] =	sbarrier.arrive $0xFFFF  }
0x277: {  	_ =	strace $0x90000047  }
0x278: {  	s0 =	stileid.u32;
	[bflag:$0x2] =	sbarrier.arrive $0xFFFF  }
0x279: {  	p0 =	sne.s32 s0, $0x0;
	s0 =	rddreg [dreg:$0x3]  }
0x27a: {  	s0 =	sadd.s32 @!p0 $0x100000, s0  }
0x27b: {  	[sflag:s0] =	ssyncadd.tile.s32 @!p0 $0x1;
	_ =	shalt  }
.Lfunc_end2:
_tile_overlayer_lowered:
.L_overlay_start_2:
0x27c: {  	(tag) =	ssettag $0x2  }
0x27d: {  	s0 =	rddreg [dreg:$0x0];
	s2 =	stileid.u32  }
0x27e: {  	s1 =	rddreg [dreg:$0x1];
	p0 =	sne.s32 s2, $0x0  }
0x27f: {  	s3 =	rddreg [dreg:$0x2];
	[bflag:$0x3] =	sbarrier.arrive $0xFFFF;
	s2 =	simm.s32 @!p0 $0x1C08  }
0x280: {  	[timem:s3], [sflag:s2] =	dma.local @!p0 [hbm:s0], s1  }
0x281: {  	s0 =	simm.s32 @!p0 $0x8  }
0x282: {  	_ =	swait.ge @!p0 [sflag:s0], s1  }
0x283: {  	s1 =	ssub.s32 @!p0 $0x0, s1;
	[sflag:s0] =	ssyncset.done @!p0 $0x0  }
0x284: {  	[sflag:s0] =	ssyncadd.s32 @!p0 s1  }
0x285: {  	[bflag:$0x3] =	sbarrier.arrive $0xFFFF  }
0x286: {  	_ =	shalt  }

</sc_bundles>
